<compile_context>
chip_gen: v7x
topology: tpu7x:2x2x1
jax: 0.10.2.dev20260603
libtpu: 0.0.44.dev20260713+nightly
codegen_flags: <defaults>
</compile_context>

<pallas_src>
import functools
import math

import jax
import jax.numpy as jnp
from jax import lax
from jax.experimental import pallas as pl
from jax.experimental.pallas import tpu as pltpu
from jax.experimental.pallas import tpu_sc as plsc

DIM = 128
BS = 32
NH = 4
HD = DIM // NH

_NW = 32
_CAP = 1024
_CAPP = _CAP + 16
_SENT = 2**31 - 1
_BLK_PER_W = 10
_ROWS_W = _BLK_PER_W * BS
_FLATW = _ROWS_W * DIM
_NPAD = _NW * _ROWS_W


def _compact_edges(rows, cols, vals):
    e = rows.shape[0]
    chunk = e // _NW
    nvec = chunk // 16
    mesh = plsc.VectorSubcoreMesh(core_axis_name="c", subcore_axis_name="s")

    @functools.partial(
        pl.kernel,
        out_type=(
            jax.ShapeDtypeStruct((_NW * _CAPP,), jnp.int32),
            jax.ShapeDtypeStruct((_NW * _CAPP,), jnp.float32),
        ),
        mesh=mesh,
        scratch_types=[
            pltpu.VMEM((chunk,), jnp.int32),
            pltpu.VMEM((chunk,), jnp.int32),
            pltpu.VMEM((chunk,), jnp.float32),
            pltpu.VMEM((_CAPP,), jnp.int32),
            pltpu.VMEM((_CAPP,), jnp.float32),
        ],
        compiler_params=pltpu.CompilerParams(needs_layout_passes=False),
    )
    def k(rows_hbm, cols_hbm, vals_hbm, idx_hbm, val_hbm, rv, cv, vv, ib, vb):
        wid = lax.axis_index("s") * 2 + lax.axis_index("c")
        base = wid * chunk
        pltpu.sync_copy(rows_hbm.at[pl.ds(base, chunk)], rv)
        pltpu.sync_copy(cols_hbm.at[pl.ds(base, chunk)], cv)
        pltpu.sync_copy(vals_hbm.at[pl.ds(base, chunk)], vv)

        sent = jnp.full((16,), _SENT, jnp.int32)

        def init(i, carry):
            ib[pl.ds(i * 16, 16)] = sent
            return carry

        lax.fori_loop(0, _CAPP // 16, init, jnp.int32(0))

        def body(i, off):
            r = rv[pl.ds(i * 16, 16)]
            c = cv[pl.ds(i * 16, 16)]
            v = vv[pl.ds(i * 16, 16)]
            br = r >> 5
            intra = br == (c >> 5)
            idx = r * DIM + (br & 3) * BS + (c & 31)
            ii = intra.astype(jnp.int32)
            offv = jnp.full((16,), off, jnp.int32)
            trash = jnp.full((16,), _CAPP - 1, jnp.int32)
            pos = offv + plsc.cumsum(ii) - ii
            tgt = jnp.where(intra, pos, trash)
            plsc.store_scatter(ib, [tgt], jnp.where(intra, idx, sent))
            plsc.store_scatter(vb, [tgt], v)
            cnt = jnp.sum(ii)
            return jnp.minimum(off + cnt, jnp.int32(_CAP))

        lax.fori_loop(0, nvec, body, jnp.int32(0))
        pltpu.sync_copy(ib, idx_hbm.at[pl.ds(wid * _CAPP, _CAPP)])
        pltpu.sync_copy(vb, val_hbm.at[pl.ds(wid * _CAPP, _CAPP)])

    return k(rows, cols, vals)


def _scatter_bias(idx_arr, val_arr):
    mesh = plsc.VectorSubcoreMesh(core_axis_name="c", subcore_axis_name="s")

    @functools.partial(
        pl.kernel,
        out_type=jax.ShapeDtypeStruct((_NPAD * DIM,), jnp.float32),
        mesh=mesh,
        scratch_types=[
            pltpu.VMEM((_NW * _CAPP,), jnp.int32),
            pltpu.VMEM((_NW * _CAPP,), jnp.float32),
            pltpu.VMEM((_FLATW + 16,), jnp.float32),
        ],
        compiler_params=pltpu.CompilerParams(needs_layout_passes=False),
    )
    def k(idx_hbm, val_hbm, wd_hbm, iv, vv, wb):
        wid = lax.axis_index("s") * 2 + lax.axis_index("c")
        lo = wid * _FLATW
        pltpu.sync_copy(idx_hbm, iv)
        pltpu.sync_copy(val_hbm, vv)
        nanv = jnp.full((16,), jnp.nan, jnp.float32)

        def init(i, carry):
            for u in range(4):
                wb[pl.ds((i * 4 + u) * 16, 16)] = nanv
            return carry

        lax.fori_loop(0, _FLATW // 64, init, jnp.int32(0))
        wb[pl.ds(_FLATW, 16)] = nanv

        lov = jnp.full((16,), lo, jnp.int32)
        trash = jnp.full((16,), _FLATW, jnp.int32)

        def inner(j, c2):
            for u in range(4):
                ix = iv[pl.ds((j * 4 + u) * 16, 16)]
                vx = vv[pl.ds((j * 4 + u) * 16, 16)]
                loc = ix - lov
                m = (ix >= lov) & (loc < trash)
                plsc.store_scatter(wb, [jnp.where(m, loc, trash)], vx)
            return c2

        lax.fori_loop(0, _NW * _CAPP // 64, inner, jnp.int32(0))
        pltpu.sync_copy(wb.at[pl.ds(0, _FLATW)], wd_hbm.at[pl.ds(lo, _FLATW)])

    return k(idx_arr, val_arr)


def _build_bias(rows, cols, vals):
    idx_arr, val_arr = _compact_edges(rows, cols, vals)
    return _scatter_bias(idx_arr, val_arr).reshape(_NPAD, DIM)


def _attention(x2d, wd2d, wqkv, bq8, wproj, bp8, gate8):
    n = x2d.shape[0]
    steps = n // DIM
    scale = 1.0 / math.sqrt(HD)

    def body(x_ref, wd_ref, wqkv_ref, bq_ref, wproj_ref, bp_ref, g_ref, o_ref):
        xt = x_ref[...]
        qkv = (
            jnp.dot(xt, wqkv_ref[...], preferred_element_type=jnp.float32)
            + bq_ref[0:1, :]
        )
        gi = lax.broadcasted_iota(jnp.int32, (4, DIM), 0)
        ri = lax.broadcasted_iota(jnp.int32, (4, DIM), 1)
        seg = jnp.where(ri // BS == gi, 1.0 / BS, 0.0)
        qkv_m = jnp.dot(seg, qkv, preferred_element_type=jnp.float32)
        er = lax.broadcasted_iota(jnp.int32, (DIM, 4), 0)
        eg = lax.broadcasted_iota(jnp.int32, (DIM, 4), 1)
        exp4 = jnp.where(er // BS == eg, 1.0, 0.0)

        wd = wd_ref[...]
        rr = lax.broadcasted_iota(jnp.int32, (DIM, DIM), 0)
        cc = lax.broadcasted_iota(jnp.int32, (DIM, DIM), 1)
        eye = rr == cc
        valid = wd == wd
        bias = jnp.where(eye, 1.0, jnp.where(valid, wd, 0.0))
        ok = valid | eye

        outs = []
        for h in range(NH):
            q = qkv[:, h * HD:(h + 1) * HD]
            kx = qkv[:, DIM + h * HD: DIM + (h + 1) * HD]
            vx = qkv[:, 2 * DIM + h * HD: 2 * DIM + (h + 1) * HD]
            km = qkv_m[:, DIM + h * HD: DIM + (h + 1) * HD]
            vm = qkv_m[:, 2 * DIM + h * HD: 2 * DIM + (h + 1) * HD]
            s = (
                lax.dot_general(q, kx, (((1,), (1,)), ((), ())),
                                preferred_element_type=jnp.float32) * scale
                + bias
            )
            s = jnp.where(ok, s, -1e30)
            kme = jnp.dot(exp4, km, preferred_element_type=jnp.float32)
            sm = jnp.sum(q * kme, axis=1, keepdims=True) * scale + 1.0
            mx = jnp.maximum(jnp.max(s, axis=1, keepdims=True), sm)
            px = jnp.exp(s - mx)
            pm = jnp.exp(sm - mx)
            den = jnp.sum(px, axis=1, keepdims=True) + pm
            wg = g_ref[0, h]
            bg = g_ref[1, h]
            cx = px / den + jnp.where(ok, bias * wg + bg, 0.0)
            cm = pm / den + (wg + bg)
            vme = jnp.dot(exp4, vm, preferred_element_type=jnp.float32)
            outs.append(
                jnp.dot(cx, vx, preferred_element_type=jnp.float32) + cm * vme
            )
        attn = jnp.concatenate(outs, axis=1)
        o_ref[...] = (
            jnp.dot(attn, wproj_ref[...], preferred_element_type=jnp.float32)
            + bp_ref[0:1, :]
        )

    return pl.pallas_call(
        body,
        grid=(steps,),
        in_specs=[
            pl.BlockSpec((DIM, DIM), lambda i: (i, 0)),
            pl.BlockSpec((DIM, DIM), lambda i: (i, 0)),
            pl.BlockSpec((DIM, 3 * DIM), lambda i: (0, 0)),
            pl.BlockSpec((8, 3 * DIM), lambda i: (0, 0)),
            pl.BlockSpec((DIM, DIM), lambda i: (0, 0)),
            pl.BlockSpec((8, DIM), lambda i: (0, 0)),
            pl.BlockSpec((8, DIM), lambda i: (0, 0)),
        ],
        out_specs=pl.BlockSpec((DIM, DIM), lambda i: (i, 0)),
        out_shape=jax.ShapeDtypeStruct((n, DIM), jnp.float32),
    )(x2d, wd2d, wqkv, bq8, wproj, bp8, gate8)


def kernel(x, edge_index, edge_values, positions, Wqkv, bqkv, Wproj, bproj,
           Wgate, bgate):
    del positions
    b, n, c = x.shape
    rows = edge_index[0].astype(jnp.int32)
    cols = edge_index[1].astype(jnp.int32)
    vals = edge_values.astype(jnp.float32)
    wd2d = _build_bias(rows, cols, vals)
    x2d = x.reshape(n, c)
    gate8 = (
        jnp.zeros((8, DIM), jnp.float32)
        .at[0, :NH].set(Wgate[0].astype(jnp.float32))
        .at[1, :NH].set(bgate.astype(jnp.float32))
    )
    bq8 = jnp.zeros((8, 3 * DIM), jnp.float32).at[0].set(bqkv)
    bp8 = jnp.zeros((8, DIM), jnp.float32).at[0].set(bproj)
    y = _attention(x2d, wd2d, Wqkv, bq8, Wproj, bp8, gate8)
    return y.reshape(b, n, c)

# --- scband reference (transcript-rebuilt; emitter-appended) ---
"""Pipeline reference for scband-leaf-block-attention-36627481101009 (READ-ONLY COPY).

The authoritative reference and input builder live on the scoring server;
editing this copy changes nothing except your own understanding.
"""

import jax, jax.numpy as jnp
import numpy as np

DIM = 128
BS = 32
H = 4
N = 9984
E = 320000

def setup_inputs(seed: int = 0):
    key = jax.random.key(seed)
    ks = jax.random.split(key, 8)
    x = jax.random.normal(ks[0], (1, N, DIM), dtype=jnp.float32)
    edge_index = jax.random.randint(ks[1], (2, E), 0, N)
    edge_values = jax.random.normal(ks[2], (E,), dtype=jnp.float32)
    positions = jax.random.uniform(ks[3], (N, 3), dtype=jnp.float32)
    Wqkv = jax.random.normal(ks[4], (DIM, 3 * DIM), dtype=jnp.float32) * 0.02
    bqkv = jnp.zeros((3 * DIM,), dtype=jnp.float32)
    Wproj = jax.random.normal(ks[5], (DIM, DIM), dtype=jnp.float32) * 0.02
    bproj = jnp.zeros((DIM,), dtype=jnp.float32)
    Wgate = jax.random.normal(ks[6], (1, H), dtype=jnp.float32) * 0.01
    bgate = jnp.zeros((H,), dtype=jnp.float32)
    return {"x": x, "edge_index": edge_index, "edge_values": edge_values, "positions": positions, "Wqkv": Wqkv, "bqkv": bqkv, "Wproj": Wproj, "bproj": bproj, "Wgate": Wgate, "bgate": bgate}

def reference(x, edge_index, edge_values, positions, Wqkv, bqkv, Wproj, bproj, Wgate, bgate):
    B, Nn, C = x.shape
    bs = BS
    nh = H
    hd = C // nh
    nb = Nn // bs
    rows, cols = edge_index[0], edge_index[1]
    br = rows // bs
    bc = cols // bs
    in_blk = (br == bc) & (br < nb)
    b_idx = jnp.where(in_blk, br, nb)
    r_l = rows % bs
    c_l = cols % bs
    dx = positions[cols] - positions[rows]
    ef_flat = jnp.concatenate([dx, edge_values[:, None]], axis=1)
    ar = jnp.arange(bs)
    attn_mask = jnp.zeros((nb + 1, bs, bs + 1), dtype=x.dtype)
    attn_mask = attn_mask.at[:, ar, ar].set(1.0)
    attn_mask = attn_mask.at[:, :, bs].set(1.0)
    attn_mask = attn_mask.at[b_idx, r_l, c_l].set(1.0)
    edge_feats = jnp.zeros((nb + 1, bs, bs + 1, 4), dtype=x.dtype)
    edge_feats = edge_feats.at[b_idx, r_l, c_l, :].set(ef_flat)
    attn_mask = attn_mask[:nb]
    edge_feats = edge_feats[:nb]
    x_blk = x.reshape(B, nb, bs, C)
    block_node = x_blk.mean(axis=2, keepdims=True)
    kv = jnp.concatenate([x_blk, block_node], axis=2)
    qkv_q = x_blk @ Wqkv + bqkv
    qkv_kv = kv @ Wqkv + bqkv
    q = qkv_q[..., :C].reshape(B, nb, bs, nh, hd)
    k = qkv_kv[..., C:2 * C].reshape(B, nb, bs + 1, nh, hd)
    v = qkv_kv[..., 2 * C:].reshape(B, nb, bs + 1, nh, hd)
    scores = jnp.einsum('bnqhd,bnkhd->bnqkh', q, k) * (hd ** -0.5)
    w = edge_feats[..., 3]
    w = w.at[:, :, bs].set(1.0)
    w = w.at[:, ar, ar].set(1.0)
    bias_physics = w
    scores = scores + bias_physics[None, :, :, :, None]
    mask_e = attn_mask[None, :, :, :, None]
    scores = jnp.where(mask_e == 0, -jnp.inf, scores)
    attn_probs = jax.nn.softmax(scores, axis=3)
    lew = bias_physics[..., None] @ Wgate + bgate
    lew = jnp.where(mask_e == 0, 0.0, lew[None, ...])
    combined = attn_probs + lew
    x_out = jnp.einsum('bnqkh,bnkhd->bnqhd', combined, v).reshape(B, nb, bs, C)
    x_out = x_out.reshape(B, Nn, C) @ Wproj + bproj
    return x_out

if __name__ == "__main__":
    import jax
    _d = setup_inputs()
    print(jax.jit(kernel)(*tuple(_d.values())))

</pallas_src>

<mosaic_0001>
#map = affine_map<(d0, d1) -> (0)>
module attributes {stable_mosaic.version = 14 : i64} {
  func.func @k(%arg0: i32, %arg1: i32, %arg2: memref<33280xi32, #tpu.memory_space<hbm>>, %arg3: memref<33280xf32, #tpu.memory_space<hbm>>, %arg4: memref<1310720xf32, #tpu.memory_space<hbm>>, %arg5: memref<33280xi32, #tpu.memory_space<vmem>>, %arg6: memref<33280xf32, #tpu.memory_space<vmem>>, %arg7: memref<40976xf32, #tpu.memory_space<vmem>>) attributes {dimension_semantics = [#tpu.dimension_semantics<core_parallel>, #tpu.dimension_semantics<subcore_parallel>], iteration_bounds = array<i64: 2, 16>, scalar_prefetch = 0 : i64, scratch_operands = 3 : i64, tpu.core_type = #tpu.core_type<sc_vector_subcore>, window_params = [{transform_indices = #map}, {transform_indices = #map}, {transform_indices = #map}]} {
    %mul3A = arith.constant 2 : i32
    %mul3A_0 = arith.muli %arg1, %mul3A : i32
    %add3A = arith.addi %mul3A_0, %arg0 : i32
    %mul3A_1 = arith.constant 40960 : i32
    %mul3A_2 = arith.muli %add3A, %mul3A_1 : i32
    "tpu.region"() ({
      %run_scoped3A = tpu.sem_alloc : memref<!tpu.dma_semaphore, #tpu.memory_space<semaphore_mem>>
      tpu.enqueue_dma source(%arg2 : memref<33280xi32, #tpu.memory_space<hbm>>) target(%arg5 : memref<33280xi32, #tpu.memory_space<vmem>>) target_semaphore(%run_scoped3A : memref<!tpu.dma_semaphore, #tpu.memory_space<semaphore_mem>>)
      tpu.wait_dma2 semaphore(%run_scoped3A : memref<!tpu.dma_semaphore, #tpu.memory_space<semaphore_mem>>) src(%arg2 : memref<33280xi32, #tpu.memory_space<hbm>>) dst(%arg5 : memref<33280xi32, #tpu.memory_space<vmem>>)
      tpu.yield
    }) : () -> ()
    "tpu.region"() ({
      %run_scoped3A = tpu.sem_alloc : memref<!tpu.dma_semaphore, #tpu.memory_space<semaphore_mem>>
      tpu.enqueue_dma source(%arg3 : memref<33280xf32, #tpu.memory_space<hbm>>) target(%arg6 : memref<33280xf32, #tpu.memory_space<vmem>>) target_semaphore(%run_scoped3A : memref<!tpu.dma_semaphore, #tpu.memory_space<semaphore_mem>>)
      tpu.wait_dma2 semaphore(%run_scoped3A : memref<!tpu.dma_semaphore, #tpu.memory_space<semaphore_mem>>) src(%arg3 : memref<33280xf32, #tpu.memory_space<hbm>>) dst(%arg6 : memref<33280xf32, #tpu.memory_space<vmem>>)
      tpu.yield
    }) : () -> ()
    %broadcast_in_dim3A = arith.constant 0x7FC00000 : f32
    %broadcast_in_dim3A_3 = vector.broadcast %broadcast_in_dim3A : f32 to vector<16xf32>
    %scan3A = arith.constant 0 : i32
    %scan3A_4 = arith.constant 0 : i32
    %scan3A_5 = arith.constant 640 : i32
    %scan3A_6 = arith.addi %scan3A_4, %scan3A_5 : i32
    %scan3A_7 = arith.constant 1 : i32
    scf.for %scan3A_19 = %scan3A_4 to %scan3A_6 step %scan3A_7  : i32 {
      %mul3A_20 = arith.constant 4 : i32
      %mul3A_21 = arith.muli %scan3A_19, %mul3A_20 : i32
      %add3A_22 = arith.constant 0 : i32
      %add3A_23 = arith.addi %mul3A_21, %add3A_22 : i32
      %mul3A_24 = arith.constant 16 : i32
      %mul3A_25 = arith.muli %add3A_23, %mul3A_24 : i32
      %swap3A_26 = arith.index_cast %mul3A_25 : i32 to index
      %swap3A_27 = tpu.vector_load %arg7[%swap3A_26] {strides = array<i32>} : memref<40976xf32, #tpu.memory_space<vmem>>, vector<16xf32>,
      tpu.vector_store %arg7[%swap3A_26], %broadcast_in_dim3A_3 {strides = array<i32>} : memref<40976xf32, #tpu.memory_space<vmem>>, vector<16xf32>,
      %mul3A_28 = arith.constant 4 : i32
      %mul3A_29 = arith.muli %scan3A_19, %mul3A_28 : i32
      %add3A_30 = arith.constant 1 : i32
      %add3A_31 = arith.addi %mul3A_29, %add3A_30 : i32
      %mul3A_32 = arith.constant 16 : i32
      %mul3A_33 = arith.muli %add3A_31, %mul3A_32 : i32
      %swap3A_34 = arith.index_cast %mul3A_33 : i32 to index
      %swap3A_35 = tpu.vector_load %arg7[%swap3A_34] {strides = array<i32>} : memref<40976xf32, #tpu.memory_space<vmem>>, vector<16xf32>,
      tpu.vector_store %arg7[%swap3A_34], %broadcast_in_dim3A_3 {strides = array<i32>} : memref<40976xf32, #tpu.memory_space<vmem>>, vector<16xf32>,
      %mul3A_36 = arith.constant 4 : i32
      %mul3A_37 = arith.muli %scan3A_19, %mul3A_36 : i32
      %add3A_38 = arith.constant 2 : i32
      %add3A_39 = arith.addi %mul3A_37, %add3A_38 : i32
      %mul3A_40 = arith.constant 16 : i32
      %mul3A_41 = arith.muli %add3A_39, %mul3A_40 : i32
      %swap3A_42 = arith.index_cast %mul3A_41 : i32 to index
      %swap3A_43 = tpu.vector_load %arg7[%swap3A_42] {strides = array<i32>} : memref<40976xf32, #tpu.memory_space<vmem>>, vector<16xf32>,
      tpu.vector_store %arg7[%swap3A_42], %broadcast_in_dim3A_3 {strides = array<i32>} : memref<40976xf32, #tpu.memory_space<vmem>>, vector<16xf32>,
      %mul3A_44 = arith.constant 4 : i32
      %mul3A_45 = arith.muli %scan3A_19, %mul3A_44 : i32
      %add3A_46 = arith.constant 3 : i32
      %add3A_47 = arith.addi %mul3A_45, %add3A_46 : i32
      %mul3A_48 = arith.constant 16 : i32
      %mul3A_49 = arith.muli %add3A_47, %mul3A_48 : i32
      %swap3A_50 = arith.index_cast %mul3A_49 : i32 to index
      %swap3A_51 = tpu.vector_load %arg7[%swap3A_50] {strides = array<i32>} : memref<40976xf32, #tpu.memory_space<vmem>>, vector<16xf32>,
      tpu.vector_store %arg7[%swap3A_50], %broadcast_in_dim3A_3 {strides = array<i32>} : memref<40976xf32, #tpu.memory_space<vmem>>, vector<16xf32>,
    }
    %scan3A_8 = arith.constant 640 : i32
    %swap3A = arith.constant 40960 : index
    %swap3A_9 = tpu.vector_load %arg7[%swap3A] {strides = array<i32>} : memref<40976xf32, #tpu.memory_space<vmem>>, vector<16xf32>,
    tpu.vector_store %arg7[%swap3A], %broadcast_in_dim3A_3 {strides = array<i32>} : memref<40976xf32, #tpu.memory_space<vmem>>, vector<16xf32>,
    %broadcast_in_dim3A_10 = vector.broadcast %mul3A_2 : i32 to vector<16xi32>
    %broadcast_in_dim3A_11 = arith.constant 40960 : i32
    %broadcast_in_dim3A_12 = vector.broadcast %broadcast_in_dim3A_11 : i32 to vector<16xi32>
    %scan3A_13 = arith.constant 0 : i32
    %scan3A_14 = arith.constant 0 : i32
    %scan3A_15 = arith.constant 520 : i32
    %scan3A_16 = arith.addi %scan3A_14, %scan3A_15 : i32
    %scan3A_17 = arith.constant 1 : i32
    scf.for %scan3A_19 = %scan3A_14 to %scan3A_16 step %scan3A_17  : i32 {
      %mul3A_20 = arith.constant 4 : i32
      %mul3A_21 = arith.muli %scan3A_19, %mul3A_20 : i32
      %add3A_22 = arith.constant 0 : i32
      %add3A_23 = arith.addi %mul3A_21, %add3A_22 : i32
      %mul3A_24 = arith.constant 16 : i32
      %mul3A_25 = arith.muli %add3A_23, %mul3A_24 : i32
      %get3A = arith.index_cast %mul3A_25 : i32 to index
      %get3A_26 = tpu.vector_load %arg5[%get3A] {strides = array<i32>} : memref<33280xi32, #tpu.memory_space<vmem>>, vector<16xi32>,
      %mul3A_27 = arith.constant 4 : i32
      %mul3A_28 = arith.muli %scan3A_19, %mul3A_27 : i32
      %add3A_29 = arith.constant 0 : i32
      %add3A_30 = arith.addi %mul3A_28, %add3A_29 : i32
      %mul3A_31 = arith.constant 16 : i32
      %mul3A_32 = arith.muli %add3A_30, %mul3A_31 : i32
      %get3A_33 = arith.index_cast %mul3A_32 : i32 to index
      %get3A_34 = tpu.vector_load %arg6[%get3A_33] {strides = array<i32>} : memref<33280xf32, #tpu.memory_space<vmem>>, vector<16xf32>,
      %sub3A = arith.subi %get3A_26, %broadcast_in_dim3A_10 : vector<16xi32>
      %ge3A = arith.cmpi sge, %get3A_26, %broadcast_in_dim3A_10 : vector<16xi32>
      %lt3A = arith.cmpi slt, %sub3A, %broadcast_in_dim3A_12 : vector<16xi32>
      %and3A = arith.andi %ge3A, %lt3A : vector<16xi1>
      %select_n3A = arith.select %and3A, %sub3A, %broadcast_in_dim3A_12 : vector<16xi1>, vector<16xi32>
      tpu.vector_store_idx %arg7[%select_n3A], %get3A_34 : memref<40976xf32, #tpu.memory_space<vmem>>[vector<16xi32>], vector<16xf32>,
      %mul3A_35 = arith.constant 4 : i32
      %mul3A_36 = arith.muli %scan3A_19, %mul3A_35 : i32
      %add3A_37 = arith.constant 1 : i32
      %add3A_38 = arith.addi %mul3A_36, %add3A_37 : i32
      %mul3A_39 = arith.constant 16 : i32
      %mul3A_40 = arith.muli %add3A_38, %mul3A_39 : i32
      %get3A_41 = arith.index_cast %mul3A_40 : i32 to index
      %get3A_42 = tpu.vector_load %arg5[%get3A_41] {strides = array<i32>} : memref<33280xi32, #tpu.memory_space<vmem>>, vector<16xi32>,
      %mul3A_43 = arith.constant 4 : i32
      %mul3A_44 = arith.muli %scan3A_19, %mul3A_43 : i32
      %add3A_45 = arith.constant 1 : i32
      %add3A_46 = arith.addi %mul3A_44, %add3A_45 : i32
      %mul3A_47 = arith.constant 16 : i32
      %mul3A_48 = arith.muli %add3A_46, %mul3A_47 : i32
      %get3A_49 = arith.index_cast %mul3A_48 : i32 to index
      %get3A_50 = tpu.vector_load %arg6[%get3A_49] {strides = array<i32>} : memref<33280xf32, #tpu.memory_space<vmem>>, vector<16xf32>,
      %sub3A_51 = arith.subi %get3A_42, %broadcast_in_dim3A_10 : vector<16xi32>
      %ge3A_52 = arith.cmpi sge, %get3A_42, %broadcast_in_dim3A_10 : vector<16xi32>
      %lt3A_53 = arith.cmpi slt, %sub3A_51, %broadcast_in_dim3A_12 : vector<16xi32>
      %and3A_54 = arith.andi %ge3A_52, %lt3A_53 : vector<16xi1>
      %select_n3A_55 = arith.select %and3A_54, %sub3A_51, %broadcast_in_dim3A_12 : vector<16xi1>, vector<16xi32>
      tpu.vector_store_idx %arg7[%select_n3A_55], %get3A_50 : memref<40976xf32, #tpu.memory_space<vmem>>[vector<16xi32>], vector<16xf32>,
      %mul3A_56 = arith.constant 4 : i32
      %mul3A_57 = arith.muli %scan3A_19, %mul3A_56 : i32
      %add3A_58 = arith.constant 2 : i32
      %add3A_59 = arith.addi %mul3A_57, %add3A_58 : i32
      %mul3A_60 = arith.constant 16 : i32
      %mul3A_61 = arith.muli %add3A_59, %mul3A_60 : i32
      %get3A_62 = arith.index_cast %mul3A_61 : i32 to index
      %get3A_63 = tpu.vector_load %arg5[%get3A_62] {strides = array<i32>} : memref<33280xi32, #tpu.memory_space<vmem>>, vector<16xi32>,
      %mul3A_64 = arith.constant 4 : i32
      %mul3A_65 = arith.muli %scan3A_19, %mul3A_64 : i32
      %add3A_66 = arith.constant 2 : i32
      %add3A_67 = arith.addi %mul3A_65, %add3A_66 : i32
      %mul3A_68 = arith.constant 16 : i32
      %mul3A_69 = arith.muli %add3A_67, %mul3A_68 : i32
      %get3A_70 = arith.index_cast %mul3A_69 : i32 to index
      %get3A_71 = tpu.vector_load %arg6[%get3A_70] {strides = array<i32>} : memref<33280xf32, #tpu.memory_space<vmem>>, vector<16xf32>,
      %sub3A_72 = arith.subi %get3A_63, %broadcast_in_dim3A_10 : vector<16xi32>
      %ge3A_73 = arith.cmpi sge, %get3A_63, %broadcast_in_dim3A_10 : vector<16xi32>
      %lt3A_74 = arith.cmpi slt, %sub3A_72, %broadcast_in_dim3A_12 : vector<16xi32>
      %and3A_75 = arith.andi %ge3A_73, %lt3A_74 : vector<16xi1>
      %select_n3A_76 = arith.select %and3A_75, %sub3A_72, %broadcast_in_dim3A_12 : vector<16xi1>, vector<16xi32>
      tpu.vector_store_idx %arg7[%select_n3A_76], %get3A_71 : memref<40976xf32, #tpu.memory_space<vmem>>[vector<16xi32>], vector<16xf32>,
      %mul3A_77 = arith.constant 4 : i32
      %mul3A_78 = arith.muli %scan3A_19, %mul3A_77 : i32
      %add3A_79 = arith.constant 3 : i32
      %add3A_80 = arith.addi %mul3A_78, %add3A_79 : i32
      %mul3A_81 = arith.constant 16 : i32
      %mul3A_82 = arith.muli %add3A_80, %mul3A_81 : i32
      %get3A_83 = arith.index_cast %mul3A_82 : i32 to index
      %get3A_84 = tpu.vector_load %arg5[%get3A_83] {strides = array<i32>} : memref<33280xi32, #tpu.memory_space<vmem>>, vector<16xi32>,
      %mul3A_85 = arith.constant 4 : i32
      %mul3A_86 = arith.muli %scan3A_19, %mul3A_85 : i32
      %add3A_87 = arith.constant 3 : i32
      %add3A_88 = arith.addi %mul3A_86, %add3A_87 : i32
      %mul3A_89 = arith.constant 16 : i32
      %mul3A_90 = arith.muli %add3A_88, %mul3A_89 : i32
      %get3A_91 = arith.index_cast %mul3A_90 : i32 to index
      %get3A_92 = tpu.vector_load %arg6[%get3A_91] {strides = array<i32>} : memref<33280xf32, #tpu.memory_space<vmem>>, vector<16xf32>,
      %sub3A_93 = arith.subi %get3A_84, %broadcast_in_dim3A_10 : vector<16xi32>
      %ge3A_94 = arith.cmpi sge, %get3A_84, %broadcast_in_dim3A_10 : vector<16xi32>
      %lt3A_95 = arith.cmpi slt, %sub3A_93, %broadcast_in_dim3A_12 : vector<16xi32>
      %and3A_96 = arith.andi %ge3A_94, %lt3A_95 : vector<16xi1>
      %select_n3A_97 = arith.select %and3A_96, %sub3A_93, %broadcast_in_dim3A_12 : vector<16xi1>, vector<16xi32>
      tpu.vector_store_idx %arg7[%select_n3A_97], %get3A_92 : memref<40976xf32, #tpu.memory_space<vmem>>[vector<16xi32>], vector<16xf32>,
    }
    %scan3A_18 = arith.constant 520 : i32
    "tpu.region"() ({
      %run_scoped3A = tpu.sem_alloc : memref<!tpu.dma_semaphore, #tpu.memory_space<semaphore_mem>>
      %dma_start3A = arith.constant 0 : i32
      %dma_start3A_19 = tpu.memref_slice %arg7[%dma_start3A] : memref<40976xf32, #tpu.memory_space<vmem>> -> memref<40960xf32, #tpu.memory_space<vmem>>
      %dma_start3A_20 = tpu.memref_slice %arg4[%mul3A_2] : memref<1310720xf32, #tpu.memory_space<hbm>> -> memref<40960xf32, #tpu.memory_space<hbm>>
      %dma_start3A_21 = tpu.memref_slice %arg4[%mul3A_2] : memref<1310720xf32, #tpu.memory_space<hbm>> -> memref<40960xf32, #tpu.memory_space<hbm>>
      %dma_start3A_22 = arith.constant 0 : i32
      %dma_start3A_23 = tpu.memref_slice %arg7[%dma_start3A_22] : memref<40976xf32, #tpu.memory_space<vmem>> -> memref<40960xf32, #tpu.memory_space<vmem>>
      tpu.enqueue_dma source(%dma_start3A_23 : memref<40960xf32, #tpu.memory_space<vmem>>) target(%dma_start3A_21 : memref<40960xf32, #tpu.memory_space<hbm>>) target_semaphore(%run_scoped3A : memref<!tpu.dma_semaphore, #tpu.memory_space<semaphore_mem>>)
      %dma_wait3A = arith.constant 0 : i32
      %dma_wait3A_24 = tpu.memref_slice %arg7[%dma_wait3A] : memref<40976xf32, #tpu.memory_space<vmem>> -> memref<40960xf32, #tpu.memory_space<vmem>>
      %dma_wait3A_25 = tpu.memref_slice %arg4[%mul3A_2] : memref<1310720xf32, #tpu.memory_space<hbm>> -> memref<40960xf32, #tpu.memory_space<hbm>>
      %dma_wait3A_26 = tpu.memref_slice %arg4[%mul3A_2] : memref<1310720xf32, #tpu.memory_space<hbm>> -> memref<40960xf32, #tpu.memory_space<hbm>>
      %dma_wait3A_27 = arith.constant 0 : i32
      %dma_wait3A_28 = tpu.memref_slice %arg7[%dma_wait3A_27] : memref<40976xf32, #tpu.memory_space<vmem>> -> memref<40960xf32, #tpu.memory_space<vmem>>
      tpu.wait_dma2 semaphore(%run_scoped3A : memref<!tpu.dma_semaphore, #tpu.memory_space<semaphore_mem>>) src(%dma_wait3A_28 : memref<40960xf32, #tpu.memory_space<vmem>>) dst(%dma_wait3A_26 : memref<40960xf32, #tpu.memory_space<hbm>>)
      tpu.yield
    }) : () -> ()
    return
  }
}

#map = affine_map<(d0, d1) -> (0)>
module attributes {stable_mosaic.version = 14 : i64} {
  func.func @k(%arg0: i32, %arg1: i32, %arg2: memref<320000xi32, #tpu.memory_space<hbm>>, %arg3: memref<320000xi32, #tpu.memory_space<hbm>>, %arg4: memref<320000xf32, #tpu.memory_space<hbm>>, %arg5: memref<33280xi32, #tpu.memory_space<hbm>>, %arg6: memref<33280xf32, #tpu.memory_space<hbm>>, %arg7: memref<10000xi32, #tpu.memory_space<vmem>>, %arg8: memref<10000xi32, #tpu.memory_space<vmem>>, %arg9: memref<10000xf32, #tpu.memory_space<vmem>>, %arg10: memref<1040xi32, #tpu.memory_space<vmem>>, %arg11: memref<1040xf32, #tpu.memory_space<vmem>>) attributes {dimension_semantics = [#tpu.dimension_semantics<core_parallel>, #tpu.dimension_semantics<subcore_parallel>], iteration_bounds = array<i64: 2, 16>, scalar_prefetch = 0 : i64, scratch_operands = 5 : i64, tpu.core_type = #tpu.core_type<sc_vector_subcore>, window_params = [{transform_indices = #map}, {transform_indices = #map}, {transform_indices = #map}, {transform_indices = #map}, {transform_indices = #map}]} {
    %mul3A = arith.constant 2 : i32
    %mul3A_0 = arith.muli %arg1, %mul3A : i32
    %add3A = arith.addi %mul3A_0, %arg0 : i32
    %mul3A_1 = arith.constant 10000 : i32
    %mul3A_2 = arith.muli %add3A, %mul3A_1 : i32
    "tpu.region"() ({
      %run_scoped3A = tpu.sem_alloc : memref<!tpu.dma_semaphore, #tpu.memory_space<semaphore_mem>>
      %dma_start3A = tpu.memref_slice %arg2[%mul3A_2] : memref<320000xi32, #tpu.memory_space<hbm>> -> memref<10000xi32, #tpu.memory_space<hbm>>
      %dma_start3A_20 = tpu.memref_slice %arg2[%mul3A_2] : memref<320000xi32, #tpu.memory_space<hbm>> -> memref<10000xi32, #tpu.memory_space<hbm>>
      tpu.enqueue_dma source(%dma_start3A_20 : memref<10000xi32, #tpu.memory_space<hbm>>) target(%arg7 : memref<10000xi32, #tpu.memory_space<vmem>>) target_semaphore(%run_scoped3A : memref<!tpu.dma_semaphore, #tpu.memory_space<semaphore_mem>>)
      %dma_wait3A = tpu.memref_slice %arg2[%mul3A_2] : memref<320000xi32, #tpu.memory_space<hbm>> -> memref<10000xi32, #tpu.memory_space<hbm>>
      %dma_wait3A_21 = tpu.memref_slice %arg2[%mul3A_2] : memref<320000xi32, #tpu.memory_space<hbm>> -> memref<10000xi32, #tpu.memory_space<hbm>>
      tpu.wait_dma2 semaphore(%run_scoped3A : memref<!tpu.dma_semaphore, #tpu.memory_space<semaphore_mem>>) src(%dma_wait3A_21 : memref<10000xi32, #tpu.memory_space<hbm>>) dst(%arg7 : memref<10000xi32, #tpu.memory_space<vmem>>)
      tpu.yield
    }) : () -> ()
    "tpu.region"() ({
      %run_scoped3A = tpu.sem_alloc : memref<!tpu.dma_semaphore, #tpu.memory_space<semaphore_mem>>
      %dma_start3A = tpu.memref_slice %arg3[%mul3A_2] : memref<320000xi32, #tpu.memory_space<hbm>> -> memref<10000xi32, #tpu.memory_space<hbm>>
      %dma_start3A_20 = tpu.memref_slice %arg3[%mul3A_2] : memref<320000xi32, #tpu.memory_space<hbm>> -> memref<10000xi32, #tpu.memory_space<hbm>>
      tpu.enqueue_dma source(%dma_start3A_20 : memref<10000xi32, #tpu.memory_space<hbm>>) target(%arg8 : memref<10000xi32, #tpu.memory_space<vmem>>) target_semaphore(%run_scoped3A : memref<!tpu.dma_semaphore, #tpu.memory_space<semaphore_mem>>)
      %dma_wait3A = tpu.memref_slice %arg3[%mul3A_2] : memref<320000xi32, #tpu.memory_space<hbm>> -> memref<10000xi32, #tpu.memory_space<hbm>>
      %dma_wait3A_21 = tpu.memref_slice %arg3[%mul3A_2] : memref<320000xi32, #tpu.memory_space<hbm>> -> memref<10000xi32, #tpu.memory_space<hbm>>
      tpu.wait_dma2 semaphore(%run_scoped3A : memref<!tpu.dma_semaphore, #tpu.memory_space<semaphore_mem>>) src(%dma_wait3A_21 : memref<10000xi32, #tpu.memory_space<hbm>>) dst(%arg8 : memref<10000xi32, #tpu.memory_space<vmem>>)
      tpu.yield
    }) : () -> ()
    "tpu.region"() ({
      %run_scoped3A = tpu.sem_alloc : memref<!tpu.dma_semaphore, #tpu.memory_space<semaphore_mem>>
      %dma_start3A = tpu.memref_slice %arg4[%mul3A_2] : memref<320000xf32, #tpu.memory_space<hbm>> -> memref<10000xf32, #tpu.memory_space<hbm>>
      %dma_start3A_20 = tpu.memref_slice %arg4[%mul3A_2] : memref<320000xf32, #tpu.memory_space<hbm>> -> memref<10000xf32, #tpu.memory_space<hbm>>
      tpu.enqueue_dma source(%dma_start3A_20 : memref<10000xf32, #tpu.memory_space<hbm>>) target(%arg9 : memref<10000xf32, #tpu.memory_space<vmem>>) target_semaphore(%run_scoped3A : memref<!tpu.dma_semaphore, #tpu.memory_space<semaphore_mem>>)
      %dma_wait3A = tpu.memref_slice %arg4[%mul3A_2] : memref<320000xf32, #tpu.memory_space<hbm>> -> memref<10000xf32, #tpu.memory_space<hbm>>
      %dma_wait3A_21 = tpu.memref_slice %arg4[%mul3A_2] : memref<320000xf32, #tpu.memory_space<hbm>> -> memref<10000xf32, #tpu.memory_space<hbm>>
      tpu.wait_dma2 semaphore(%run_scoped3A : memref<!tpu.dma_semaphore, #tpu.memory_space<semaphore_mem>>) src(%dma_wait3A_21 : memref<10000xf32, #tpu.memory_space<hbm>>) dst(%arg9 : memref<10000xf32, #tpu.memory_space<vmem>>)
      tpu.yield
    }) : () -> ()
    %broadcast_in_dim3A = arith.constant 2147483647 : i32
    %broadcast_in_dim3A_3 = vector.broadcast %broadcast_in_dim3A : i32 to vector<16xi32>
    %scan3A = arith.constant 0 : i32
    %scan3A_4 = arith.constant 0 : i32
    %scan3A_5 = arith.constant 65 : i32
    %scan3A_6 = arith.addi %scan3A_4, %scan3A_5 : i32
    %scan3A_7 = arith.constant 1 : i32
    scf.for %scan3A_20 = %scan3A_4 to %scan3A_6 step %scan3A_7  : i32 {
      %mul3A_21 = arith.constant 16 : i32
      %mul3A_22 = arith.muli %scan3A_20, %mul3A_21 : i32
      %swap3A = arith.index_cast %mul3A_22 : i32 to index
      %swap3A_23 = tpu.vector_load %arg10[%swap3A] {strides = array<i32>} : memref<1040xi32, #tpu.memory_space<vmem>>, vector<16xi32>,
      tpu.vector_store %arg10[%swap3A], %broadcast_in_dim3A_3 {strides = array<i32>} : memref<1040xi32, #tpu.memory_space<vmem>>, vector<16xi32>,
    }
    %scan3A_8 = arith.constant 65 : i32
    %scan3A_9 = arith.constant 0 : i32
    %scan3A_10 = arith.constant 0 : i32
    %scan3A_11 = arith.constant 625 : i32
    %scan3A_12 = arith.addi %scan3A_10, %scan3A_11 : i32
    %scan3A_13 = arith.constant 1 : i32
    %scan3A_14 = scf.for %scan3A_20 = %scan3A_10 to %scan3A_12 step %scan3A_13 iter_args(%scan3A_21 = %scan3A_9) -> (i32)  : i32 {
      %mul3A_22 = arith.constant 16 : i32
      %mul3A_23 = arith.muli %scan3A_20, %mul3A_22 : i32
      %get3A = arith.index_cast %mul3A_23 : i32 to index
      %get3A_24 = tpu.vector_load %arg7[%get3A] {strides = array<i32>} : memref<10000xi32, #tpu.memory_space<vmem>>, vector<16xi32>,
      %mul3A_25 = arith.constant 16 : i32
      %mul3A_26 = arith.muli %scan3A_20, %mul3A_25 : i32
      %get3A_27 = arith.index_cast %mul3A_26 : i32 to index
      %get3A_28 = tpu.vector_load %arg8[%get3A_27] {strides = array<i32>} : memref<10000xi32, #tpu.memory_space<vmem>>, vector<16xi32>,
      %mul3A_29 = arith.constant 16 : i32
      %mul3A_30 = arith.muli %scan3A_20, %mul3A_29 : i32
      %get3A_31 = arith.index_cast %mul3A_30 : i32 to index
      %get3A_32 = tpu.vector_load %arg9[%get3A_31] {strides = array<i32>} : memref<10000xf32, #tpu.memory_space<vmem>>, vector<16xf32>,
      %shift_right_arithmetic3A = arith.constant 5 : i32
      %shift_right_arithmetic3A_33 = vector.broadcast %shift_right_arithmetic3A : i32 to vector<16xi32>
      %shift_right_arithmetic3A_34 = arith.shrsi %get3A_24, %shift_right_arithmetic3A_33 : vector<16xi32>
      %shift_right_arithmetic3A_35 = arith.constant 5 : i32
      %shift_right_arithmetic3A_36 = vector.broadcast %shift_right_arithmetic3A_35 : i32 to vector<16xi32>
      %shift_right_arithmetic3A_37 = arith.shrsi %get3A_28, %shift_right_arithmetic3A_36 : vector<16xi32>
      %eq3A = arith.cmpi eq, %shift_right_arithmetic3A_34, %shift_right_arithmetic3A_37 : vector<16xi32>
      %mul3A_38 = arith.constant 128 : i32
      %mul3A_39 = vector.broadcast %mul3A_38 : i32 to vector<16xi32>
      %mul3A_40 = arith.muli %get3A_24, %mul3A_39 : vector<16xi32>
      %and3A = arith.constant 3 : i32
      %and3A_41 = vector.broadcast %and3A : i32 to vector<16xi32>
      %and3A_42 = arith.andi %shift_right_arithmetic3A_34, %and3A_41 : vector<16xi32>
      %mul3A_43 = arith.constant 32 : i32
      %mul3A_44 = vector.broadcast %mul3A_43 : i32 to vector<16xi32>
      %mul3A_45 = arith.muli %and3A_42, %mul3A_44 : vector<16xi32>
      %add3A_46 = arith.addi %mul3A_40, %mul3A_45 : vector<16xi32>
      %and3A_47 = arith.constant 31 : i32
      %and3A_48 = vector.broadcast %and3A_47 : i32 to vector<16xi32>
      %and3A_49 = arith.andi %get3A_28, %and3A_48 : vector<16xi32>
      %add3A_50 = arith.addi %add3A_46, %and3A_49 : vector<16xi32>
      %convert_element_type3A = arith.extui %eq3A : vector<16xi1> to vector<16xi32>
      %broadcast_in_dim3A_51 = vector.broadcast %scan3A_21 : i32 to vector<16xi32>
      %broadcast_in_dim3A_52 = arith.constant 1039 : i32
      %broadcast_in_dim3A_53 = vector.broadcast %broadcast_in_dim3A_52 : i32 to vector<16xi32>
      %broadcast_in_dim3A_54 = arith.constant true
      %broadcast_in_dim3A_55 = vector.broadcast %broadcast_in_dim3A_54 : i1 to vector<16xi1>
      %masked_cumsum3A = tpu.scan <sum>, %convert_element_type3A masked %broadcast_in_dim3A_55 : vector<16xi32>, vector<16xi1> -> vector<16xi32>
      %add3A_56 = arith.addi %broadcast_in_dim3A_51, %masked_cumsum3A : vector<16xi32>
      %sub3A = arith.subi %add3A_56, %convert_element_type3A : vector<16xi32>
      %select_n3A = arith.select %eq3A, %sub3A, %broadcast_in_dim3A_53 : vector<16xi1>, vector<16xi32>
      %select_n3A_57 = arith.select %eq3A, %add3A_50, %broadcast_in_dim3A_3 : vector<16xi1>, vector<16xi32>
      tpu.vector_store_idx %arg10[%select_n3A], %select_n3A_57 : memref<1040xi32, #tpu.memory_space<vmem>>[vector<16xi32>], vector<16xi32>,
      tpu.vector_store_idx %arg11[%select_n3A], %get3A_32 : memref<1040xf32, #tpu.memory_space<vmem>>[vector<16xi32>], vector<16xf32>,
      %reduce_sum3A = arith.constant true
      %reduce_sum3A_58 = vector.broadcast %reduce_sum3A : i1 to vector<16xi1>
      %reduce_sum3A_59 = tpu.scan <sum>, %convert_element_type3A masked %reduce_sum3A_58 : vector<16xi32>, vector<16xi1> -> vector<16xi32>
      %reduce_sum3A_60 = vector.extract %reduce_sum3A_59[15] : i32 from vector<16xi32>
      %add3A_61 = arith.addi %scan3A_21, %reduce_sum3A_60 : i32
      %min3A = arith.constant 1024 : i32
      %min3A_62 = arith.minsi %add3A_61, %min3A : i32
      scf.yield %min3A_62 : i32
    }
    %scan3A_15 = arith.constant 625 : i32
    %mul3A_16 = arith.constant 1040 : i32
    %mul3A_17 = arith.muli %add3A, %mul3A_16 : i32
    "tpu.region"() ({
      %run_scoped3A = tpu.sem_alloc : memref<!tpu.dma_semaphore, #tpu.memory_space<semaphore_mem>>
      %dma_start3A = tpu.memref_slice %arg5[%mul3A_17] : memref<33280xi32, #tpu.memory_space<hbm>> -> memref<1040xi32, #tpu.memory_space<hbm>>
      %dma_start3A_20 = tpu.memref_slice %arg5[%mul3A_17] : memref<33280xi32, #tpu.memory_space<hbm>> -> memref<1040xi32, #tpu.memory_space<hbm>>
      tpu.enqueue_dma source(%arg10 : memref<1040xi32, #tpu.memory_space<vmem>>) target(%dma_start3A_20 : memref<1040xi32, #tpu.memory_space<hbm>>) target_semaphore(%run_scoped3A : memref<!tpu.dma_semaphore, #tpu.memory_space<semaphore_mem>>)
      %dma_wait3A = tpu.memref_slice %arg5[%mul3A_17] : memref<33280xi32, #tpu.memory_space<hbm>> -> memref<1040xi32, #tpu.memory_space<hbm>>
      %dma_wait3A_21 = tpu.memref_slice %arg5[%mul3A_17] : memref<33280xi32, #tpu.memory_space<hbm>> -> memref<1040xi32, #tpu.memory_space<hbm>>
      tpu.wait_dma2 semaphore(%run_scoped3A : memref<!tpu.dma_semaphore, #tpu.memory_space<semaphore_mem>>) src(%arg10 : memref<1040xi32, #tpu.memory_space<vmem>>) dst(%dma_wait3A_21 : memref<1040xi32, #tpu.memory_space<hbm>>)
      tpu.yield
    }) : () -> ()
    %mul3A_18 = arith.constant 1040 : i32
    %mul3A_19 = arith.muli %add3A, %mul3A_18 : i32
    "tpu.region"() ({
      %run_scoped3A = tpu.sem_alloc : memref<!tpu.dma_semaphore, #tpu.memory_space<semaphore_mem>>
      %dma_start3A = tpu.memref_slice %arg6[%mul3A_19] : memref<33280xf32, #tpu.memory_space<hbm>> -> memref<1040xf32, #tpu.memory_space<hbm>>
      %dma_start3A_20 = tpu.memref_slice %arg6[%mul3A_19] : memref<33280xf32, #tpu.memory_space<hbm>> -> memref<1040xf32, #tpu.memory_space<hbm>>
      tpu.enqueue_dma source(%arg11 : memref<1040xf32, #tpu.memory_space<vmem>>) target(%dma_start3A_20 : memref<1040xf32, #tpu.memory_space<hbm>>) target_semaphore(%run_scoped3A : memref<!tpu.dma_semaphore, #tpu.memory_space<semaphore_mem>>)
      %dma_wait3A = tpu.memref_slice %arg6[%mul3A_19] : memref<33280xf32, #tpu.memory_space<hbm>> -> memref<1040xf32, #tpu.memory_space<hbm>>
      %dma_wait3A_21 = tpu.memref_slice %arg6[%mul3A_19] : memref<33280xf32, #tpu.memory_space<hbm>> -> memref<1040xf32, #tpu.memory_space<hbm>>
      tpu.wait_dma2 semaphore(%run_scoped3A : memref<!tpu.dma_semaphore, #tpu.memory_space<semaphore_mem>>) src(%arg11 : memref<1040xf32, #tpu.memory_space<vmem>>) dst(%dma_wait3A_21 : memref<1040xf32, #tpu.memory_space<hbm>>)
      tpu.yield
    }) : () -> ()
    return
  }
}

module attributes {stable_mosaic.version = 14 : i64} {
  func.func @body(%arg0: i32, %arg1: memref<128x128xf32, #tpu.memory_space<vmem>>, %arg2: memref<128x128xf32, #tpu.memory_space<vmem>>, %arg3: memref<128x384xf32, #tpu.memory_space<vmem>>, %arg4: memref<8x384xf32, #tpu.memory_space<vmem>>, %arg5: memref<128x128xf32, #tpu.memory_space<vmem>>, %arg6: memref<8x128xf32, #tpu.memory_space<vmem>>, %arg7: memref<8x128xf32, #tpu.memory_space<vmem>>, %arg8: memref<128x128xf32, #tpu.memory_space<vmem>>) attributes {dimension_semantics = [#tpu.dimension_semantics<arbitrary>], iteration_bounds = array<i64: 78>, scalar_prefetch = 0 : i64, scratch_operands = 0 : i64, tpu.core_type = #tpu.core_type<tc>, window_params = [{transform_indices = @transform_0, window_bounds = array<i64: 128, 128>}, {transform_indices = @transform_1, window_bounds = array<i64: 128, 128>}, {pipeline_mode = #tpu.pipeline_mode<synchronous>, transform_indices = @transform_2, window_bounds = array<i64: 128, 384>}, {pipeline_mode = #tpu.pipeline_mode<synchronous>, transform_indices = @transform_3, window_bounds = array<i64: 8, 384>}, {pipeline_mode = #tpu.pipeline_mode<synchronous>, transform_indices = @transform_4, window_bounds = array<i64: 128, 128>}, {pipeline_mode = #tpu.pipeline_mode<synchronous>, transform_indices = @transform_5, window_bounds = array<i64: 8, 128>}, {pipeline_mode = #tpu.pipeline_mode<synchronous>, transform_indices = @transform_6, window_bounds = array<i64: 8, 128>}, {transform_indices = @transform_7, window_bounds = array<i64: 128, 128>}]} {
    %get3A = arith.constant 0 : index
    %get3A_0 = arith.constant 0 : index
    %get3A_1 = vector.load %arg1[%get3A, %get3A_0] : memref<128x128xf32, #tpu.memory_space<vmem>>, vector<128x128xf32>
    %get3A_2 = arith.constant 0 : index
    %get3A_3 = arith.constant 0 : index
    %get3A_4 = vector.load %arg3[%get3A_2, %get3A_3] : memref<128x384xf32, #tpu.memory_space<vmem>>, vector<128x384xf32>
    %dot_general3A = arith.constant dense<0.000000e+00> : vector<128x384xf32>
    %dot_general3A_5 = tpu.matmul %get3A_1, %get3A_4, %dot_general3A {dimension_numbers = #tpu.dot_dimension_numbers<[1], [0], [0], [1], [0, 0, 1, 1], [], []>, transpose_lhs_hint = false} : vector<128x128xf32>, vector<128x384xf32>, vector<128x384xf32> -> vector<128x384xf32>
    %get3A_6 = arith.constant 0 : index
    %get3A_7 = arith.constant 0 : index
    %get3A_8 = vector.load %arg4[%get3A_6, %get3A_7] : memref<8x384xf32, #tpu.memory_space<vmem>>, vector<1x384xf32>
    %add3A = vector.broadcast %get3A_8 : vector<1x384xf32> to vector<128x384xf32>
    %add3A_9 = arith.addf %dot_general3A_5, %add3A : vector<128x384xf32>
    %iota3A = tpu.iota {dimensions = array<i32: 0>} : vector<4x128xi32>
    %iota3A_10 = tpu.iota {dimensions = array<i32: 1>} : vector<4x128xi32>
    %jit3A = arith.constant 32 : i32
    %div3A = vector.broadcast %jit3A : i32 to vector<4x128xi32>
    %div3A_11 = arith.divsi %iota3A_10, %div3A : vector<4x128xi32>
    %sign3A = arith.constant 0 : i32
    %sign3A_12 = vector.broadcast %sign3A : i32 to vector<4x128xi32>
    %sign3A_13 = arith.cmpi sgt, %iota3A_10, %sign3A_12 : vector<4x128xi32>
    %sign3A_14 = arith.extui %sign3A_13 : vector<4x128xi1> to vector<4x128xi32>
    %sign3A_15 = arith.constant 0 : i32
    %sign3A_16 = vector.broadcast %sign3A_15 : i32 to vector<4x128xi32>
    %sign3A_17 = arith.cmpi slt, %iota3A_10, %sign3A_16 : vector<4x128xi32>
    %sign3A_18 = arith.extui %sign3A_17 : vector<4x128xi1> to vector<4x128xi32>
    %sign3A_19 = arith.subi %sign3A_14, %sign3A_18 : vector<4x128xi32>
    %sign3A_20 = arith.constant 0 : i32
    %sign3A_21 = arith.cmpi sgt, %jit3A, %sign3A_20 : i32
    %sign3A_22 = arith.extui %sign3A_21 : i1 to i32
    %sign3A_23 = arith.constant 0 : i32
    %sign3A_24 = arith.cmpi slt, %jit3A, %sign3A_23 : i32
    %sign3A_25 = arith.extui %sign3A_24 : i1 to i32
    %sign3A_26 = arith.subi %sign3A_22, %sign3A_25 : i32
    %ne3A = vector.broadcast %sign3A_26 : i32 to vector<4x128xi32>
    %ne3A_27 = arith.cmpi ne, %sign3A_19, %ne3A : vector<4x128xi32>
    %rem3A = vector.broadcast %jit3A : i32 to vector<4x128xi32>
    %rem3A_28 = arith.remsi %iota3A_10, %rem3A : vector<4x128xi32>
    %ne3A_29 = arith.constant 0 : i32
    %ne3A_30 = vector.broadcast %ne3A_29 : i32 to vector<4x128xi32>
    %ne3A_31 = arith.cmpi ne, %rem3A_28, %ne3A_30 : vector<4x128xi32>
    %and3A = arith.andi %ne3A_27, %ne3A_31 : vector<4x128xi1>
    %sub3A = arith.constant 1 : i32
    %sub3A_32 = vector.broadcast %sub3A : i32 to vector<4x128xi32>
    %sub3A_33 = arith.subi %div3A_11, %sub3A_32 : vector<4x128xi32>
    %select_n3A = arith.select %and3A, %sub3A_33, %div3A_11 : vector<4x128xi1>, vector<4x128xi32>
    %eq3A = arith.cmpi eq, %select_n3A, %iota3A : vector<4x128xi32>
    %jit3A_34 = arith.constant 3.125000e-02 : f32
    %jit3A_35 = arith.constant 0.000000e+00 : f32
    %broadcast_in_dim3A = vector.broadcast %jit3A_34 : f32 to vector<4x128xf32>
    %broadcast_in_dim3A_36 = vector.broadcast %jit3A_35 : f32 to vector<4x128xf32>
    %select_n3A_37 = arith.select %eq3A, %broadcast_in_dim3A, %broadcast_in_dim3A_36 : vector<4x128xi1>, vector<4x128xf32>
    %dot_general3A_38 = arith.constant dense<0.000000e+00> : vector<4x384xf32>
    %dot_general3A_39 = tpu.matmul %select_n3A_37, %add3A_9, %dot_general3A_38 {dimension_numbers = #tpu.dot_dimension_numbers<[1], [0], [0], [1], [0, 0, 1, 1], [], []>, transpose_lhs_hint = false} : vector<4x128xf32>, vector<128x384xf32>, vector<4x384xf32> -> vector<4x384xf32>
    %iota3A_40 = tpu.iota {dimensions = array<i32: 0>} : vector<128x4xi32>
    %iota3A_41 = tpu.iota {dimensions = array<i32: 1>} : vector<128x4xi32>
    %jit3A_42 = arith.constant 32 : i32
    %div3A_43 = vector.broadcast %jit3A_42 : i32 to vector<128x4xi32>
    %div3A_44 = arith.divsi %iota3A_40, %div3A_43 : vector<128x4xi32>
    %sign3A_45 = arith.constant 0 : i32
    %sign3A_46 = vector.broadcast %sign3A_45 : i32 to vector<128x4xi32>
    %sign3A_47 = arith.cmpi sgt, %iota3A_40, %sign3A_46 : vector<128x4xi32>
    %sign3A_48 = arith.extui %sign3A_47 : vector<128x4xi1> to vector<128x4xi32>
    %sign3A_49 = arith.constant 0 : i32
    %sign3A_50 = vector.broadcast %sign3A_49 : i32 to vector<128x4xi32>
    %sign3A_51 = arith.cmpi slt, %iota3A_40, %sign3A_50 : vector<128x4xi32>
    %sign3A_52 = arith.extui %sign3A_51 : vector<128x4xi1> to vector<128x4xi32>
    %sign3A_53 = arith.subi %sign3A_48, %sign3A_52 : vector<128x4xi32>
    %sign3A_54 = arith.constant 0 : i32
    %sign3A_55 = arith.cmpi sgt, %jit3A_42, %sign3A_54 : i32
    %sign3A_56 = arith.extui %sign3A_55 : i1 to i32
    %sign3A_57 = arith.constant 0 : i32
    %sign3A_58 = arith.cmpi slt, %jit3A_42, %sign3A_57 : i32
    %sign3A_59 = arith.extui %sign3A_58 : i1 to i32
    %sign3A_60 = arith.subi %sign3A_56, %sign3A_59 : i32
    %ne3A_61 = vector.broadcast %sign3A_60 : i32 to vector<128x4xi32>
    %ne3A_62 = arith.cmpi ne, %sign3A_53, %ne3A_61 : vector<128x4xi32>
    %rem3A_63 = vector.broadcast %jit3A_42 : i32 to vector<128x4xi32>
    %rem3A_64 = arith.remsi %iota3A_40, %rem3A_63 : vector<128x4xi32>
    %ne3A_65 = arith.constant 0 : i32
    %ne3A_66 = vector.broadcast %ne3A_65 : i32 to vector<128x4xi32>
    %ne3A_67 = arith.cmpi ne, %rem3A_64, %ne3A_66 : vector<128x4xi32>
    %and3A_68 = arith.andi %ne3A_62, %ne3A_67 : vector<128x4xi1>
    %sub3A_69 = arith.constant 1 : i32
    %sub3A_70 = vector.broadcast %sub3A_69 : i32 to vector<128x4xi32>
    %sub3A_71 = arith.subi %div3A_44, %sub3A_70 : vector<128x4xi32>
    %select_n3A_72 = arith.select %and3A_68, %sub3A_71, %div3A_44 : vector<128x4xi1>, vector<128x4xi32>
    %eq3A_73 = arith.cmpi eq, %select_n3A_72, %iota3A_41 : vector<128x4xi32>
    %jit3A_74 = arith.constant 1.000000e+00 : f32
    %jit3A_75 = arith.constant 0.000000e+00 : f32
    %broadcast_in_dim3A_76 = vector.broadcast %jit3A_74 : f32 to vector<128x4xf32>
    %broadcast_in_dim3A_77 = vector.broadcast %jit3A_75 : f32 to vector<128x4xf32>
    %select_n3A_78 = arith.select %eq3A_73, %broadcast_in_dim3A_76, %broadcast_in_dim3A_77 : vector<128x4xi1>, vector<128x4xf32>
    %get3A_79 = arith.constant 0 : index
    %get3A_80 = arith.constant 0 : index
    %get3A_81 = vector.load %arg2[%get3A_79, %get3A_80] : memref<128x128xf32, #tpu.memory_space<vmem>>, vector<128x128xf32>
    %iota3A_82 = tpu.iota {dimensions = array<i32: 0>} : vector<128x128xi32>
    %iota3A_83 = tpu.iota {dimensions = array<i32: 1>} : vector<128x128xi32>
    %eq3A_84 = arith.cmpi eq, %iota3A_82, %iota3A_83 : vector<128x128xi32>
    %eq3A_85 = arith.cmpf oeq, %get3A_81, %get3A_81 : vector<128x128xf32>
    %jit3A_86 = arith.constant 0.000000e+00 : f32
    %broadcast_in_dim3A_87 = vector.broadcast %jit3A_86 : f32 to vector<128x128xf32>
    %select_n3A_88 = arith.select %eq3A_85, %get3A_81, %broadcast_in_dim3A_87 : vector<128x128xi1>, vector<128x128xf32>
    %jit3A_89 = arith.constant 1.000000e+00 : f32
    %broadcast_in_dim3A_90 = vector.broadcast %jit3A_89 : f32 to vector<128x128xf32>
    %select_n3A_91 = arith.select %eq3A_84, %broadcast_in_dim3A_90, %select_n3A_88 : vector<128x128xi1>, vector<128x128xf32>
    %or3A = arith.ori %eq3A_85, %eq3A_84 : vector<128x128xi1>
    %slice3A = vector.extract_strided_slice %add3A_9 {offsets = [0, 0], sizes = [128, 32], strides = [1, 1]} : vector<128x384xf32> to vector<128x32xf32>
    %slice3A_92 = vector.extract_strided_slice %add3A_9 {offsets = [0, 128], sizes = [128, 32], strides = [1, 1]} : vector<128x384xf32> to vector<128x32xf32>
    %slice3A_93 = vector.extract_strided_slice %add3A_9 {offsets = [0, 256], sizes = [128, 32], strides = [1, 1]} : vector<128x384xf32> to vector<128x32xf32>
    %slice3A_94 = vector.extract_strided_slice %dot_general3A_39 {offsets = [0, 128], sizes = [4, 32], strides = [1, 1]} : vector<4x384xf32> to vector<4x32xf32>
    %slice3A_95 = vector.extract_strided_slice %dot_general3A_39 {offsets = [0, 256], sizes = [4, 32], strides = [1, 1]} : vector<4x384xf32> to vector<4x32xf32>
    %dot_general3A_96 = arith.constant dense<0.000000e+00> : vector<128x128xf32>
    %dot_general3A_97 = tpu.matmul %slice3A, %slice3A_92, %dot_general3A_96 {dimension_numbers = #tpu.dot_dimension_numbers<[1], [1], [0], [0], [0, 0, 1, 0], [], []>, transpose_lhs_hint = false} : vector<128x32xf32>, vector<128x32xf32>, vector<128x128xf32> -> vector<128x128xf32>
    %mul3A = arith.constant 0.176776692 : f32
    %mul3A_98 = vector.broadcast %mul3A : f32 to vector<128x128xf32>
    %mul3A_99 = arith.mulf %dot_general3A_97, %mul3A_98 : vector<128x128xf32>
    %add3A_100 = arith.addf %mul3A_99, %select_n3A_91 : vector<128x128xf32>
    %jit3A_101 = arith.constant -1.000000e+30 : f32
    %broadcast_in_dim3A_102 = vector.broadcast %jit3A_101 : f32 to vector<128x128xf32>
    %select_n3A_103 = arith.select %or3A, %add3A_100, %broadcast_in_dim3A_102 : vector<128x128xi1>, vector<128x128xf32>
    %dot_general3A_104 = arith.constant dense<0.000000e+00> : vector<128x32xf32>
    %dot_general3A_105 = tpu.matmul %select_n3A_78, %slice3A_94, %dot_general3A_104 {dimension_numbers = #tpu.dot_dimension_numbers<[1], [0], [0], [1], [0, 0, 1, 1], [], []>, transpose_lhs_hint = false} : vector<128x4xf32>, vector<4x32xf32>, vector<128x32xf32> -> vector<128x32xf32>
    %mul3A_106 = arith.mulf %slice3A, %dot_general3A_105 : vector<128x32xf32>
    %reduce_sum3A = arith.constant dense<0.000000e+00> : vector<128xf32>
    %reduce_sum3A_107 = vector.multi_reduction <add>, %mul3A_106, %reduce_sum3A [1] : vector<128x32xf32> to vector<128xf32>
    %broadcast_in_dim3A_108 = vector.shape_cast %reduce_sum3A_107 : vector<128xf32> to vector<128x1xf32>
    %mul3A_109 = arith.constant 0.176776692 : f32
    %mul3A_110 = vector.broadcast %mul3A_109 : f32 to vector<128x1xf32>
    %mul3A_111 = arith.mulf %broadcast_in_dim3A_108, %mul3A_110 : vector<128x1xf32>
    %add3A_112 = arith.constant 1.000000e+00 : f32
    %add3A_113 = vector.broadcast %add3A_112 : f32 to vector<128x1xf32>
    %add3A_114 = arith.addf %mul3A_111, %add3A_113 : vector<128x1xf32>
    %reduce_max3A = arith.constant dense<0xFF800000> : vector<128xf32>
    %reduce_max3A_115 = vector.multi_reduction <maximumf>, %select_n3A_103, %reduce_max3A [1] : vector<128x128xf32> to vector<128xf32>
    %broadcast_in_dim3A_116 = vector.shape_cast %reduce_max3A_115 : vector<128xf32> to vector<128x1xf32>
    %max3A = arith.maximumf %broadcast_in_dim3A_116, %add3A_114 : vector<128x1xf32>
    %sub3A_117 = vector.broadcast %max3A : vector<128x1xf32> to vector<128x128xf32>
    %sub3A_118 = arith.subf %select_n3A_103, %sub3A_117 : vector<128x128xf32>
    %exp3A = math.exp %sub3A_118 : vector<128x128xf32>
    %sub3A_119 = arith.subf %add3A_114, %max3A : vector<128x1xf32>
    %exp3A_120 = math.exp %sub3A_119 : vector<128x1xf32>
    %reduce_sum3A_121 = arith.constant dense<0.000000e+00> : vector<128xf32>
    %reduce_sum3A_122 = vector.multi_reduction <add>, %exp3A, %reduce_sum3A_121 [1] : vector<128x128xf32> to vector<128xf32>
    %broadcast_in_dim3A_123 = vector.shape_cast %reduce_sum3A_122 : vector<128xf32> to vector<128x1xf32>
    %add3A_124 = arith.addf %broadcast_in_dim3A_123, %exp3A_120 : vector<128x1xf32>
    %get3A_125 = arith.constant 0 : index
    %get3A_126 = arith.constant 0 : index
    %get3A_127 = vector.load %arg7[%get3A_125, %get3A_126] : memref<8x128xf32, #tpu.memory_space<vmem>>, vector<1x1xf32>
    %get3A_128 = vector.extract %get3A_127[0, 0] : f32 from vector<1x1xf32>
    %get3A_129 = arith.constant 1 : index
    %get3A_130 = arith.constant 0 : index
    %get3A_131 = vector.load %arg7[%get3A_129, %get3A_130] : memref<8x128xf32, #tpu.memory_space<vmem>>, vector<1x1xf32>
    %get3A_132 = vector.extract %get3A_131[0, 0] : f32 from vector<1x1xf32>
    %div3A_133 = vector.broadcast %add3A_124 : vector<128x1xf32> to vector<128x128xf32>
    %div3A_134 = arith.divf %exp3A, %div3A_133 : vector<128x128xf32>
    %mul3A_135 = vector.broadcast %get3A_128 : f32 to vector<128x128xf32>
    %mul3A_136 = arith.mulf %select_n3A_91, %mul3A_135 : vector<128x128xf32>
    %add3A_137 = vector.broadcast %get3A_132 : f32 to vector<128x128xf32>
    %add3A_138 = arith.addf %mul3A_136, %add3A_137 : vector<128x128xf32>
    %jit3A_139 = arith.constant 0.000000e+00 : f32
    %broadcast_in_dim3A_140 = vector.broadcast %jit3A_139 : f32 to vector<128x128xf32>
    %select_n3A_141 = arith.select %or3A, %add3A_138, %broadcast_in_dim3A_140 : vector<128x128xi1>, vector<128x128xf32>
    %add3A_142 = arith.addf %div3A_134, %select_n3A_141 : vector<128x128xf32>
    %div3A_143 = arith.divf %exp3A_120, %add3A_124 : vector<128x1xf32>
    %add3A_144 = arith.addf %get3A_128, %get3A_132 : f32
    %add3A_145 = vector.broadcast %add3A_144 : f32 to vector<128x1xf32>
    %add3A_146 = arith.addf %div3A_143, %add3A_145 : vector<128x1xf32>
    %dot_general3A_147 = arith.constant dense<0.000000e+00> : vector<128x32xf32>
    %dot_general3A_148 = tpu.matmul %select_n3A_78, %slice3A_95, %dot_general3A_147 {dimension_numbers = #tpu.dot_dimension_numbers<[1], [0], [0], [1], [0, 0, 1, 1], [], []>, transpose_lhs_hint = false} : vector<128x4xf32>, vector<4x32xf32>, vector<128x32xf32> -> vector<128x32xf32>
    %dot_general3A_149 = arith.constant dense<0.000000e+00> : vector<128x32xf32>
    %dot_general3A_150 = tpu.matmul %add3A_142, %slice3A_93, %dot_general3A_149 {dimension_numbers = #tpu.dot_dimension_numbers<[1], [0], [0], [1], [0, 0, 1, 1], [], []>, transpose_lhs_hint = false} : vector<128x128xf32>, vector<128x32xf32>, vector<128x32xf32> -> vector<128x32xf32>
    %mul3A_151 = vector.broadcast %add3A_146 : vector<128x1xf32> to vector<128x32xf32>
    %mul3A_152 = arith.mulf %mul3A_151, %dot_general3A_148 : vector<128x32xf32>
    %add3A_153 = arith.addf %dot_general3A_150, %mul3A_152 : vector<128x32xf32>
    %slice3A_154 = vector.extract_strided_slice %add3A_9 {offsets = [0, 32], sizes = [128, 32], strides = [1, 1]} : vector<128x384xf32> to vector<128x32xf32>
    %slice3A_155 = vector.extract_strided_slice %add3A_9 {offsets = [0, 160], sizes = [128, 32], strides = [1, 1]} : vector<128x384xf32> to vector<128x32xf32>
    %slice3A_156 = vector.extract_strided_slice %add3A_9 {offsets = [0, 288], sizes = [128, 32], strides = [1, 1]} : vector<128x384xf32> to vector<128x32xf32>
    %slice3A_157 = vector.extract_strided_slice %dot_general3A_39 {offsets = [0, 160], sizes = [4, 32], strides = [1, 1]} : vector<4x384xf32> to vector<4x32xf32>
    %slice3A_158 = vector.extract_strided_slice %dot_general3A_39 {offsets = [0, 288], sizes = [4, 32], strides = [1, 1]} : vector<4x384xf32> to vector<4x32xf32>
    %dot_general3A_159 = arith.constant dense<0.000000e+00> : vector<128x128xf32>
    %dot_general3A_160 = tpu.matmul %slice3A_154, %slice3A_155, %dot_general3A_159 {dimension_numbers = #tpu.dot_dimension_numbers<[1], [1], [0], [0], [0, 0, 1, 0], [], []>, transpose_lhs_hint = false} : vector<128x32xf32>, vector<128x32xf32>, vector<128x128xf32> -> vector<128x128xf32>
    %mul3A_161 = arith.constant 0.176776692 : f32
    %mul3A_162 = vector.broadcast %mul3A_161 : f32 to vector<128x128xf32>
    %mul3A_163 = arith.mulf %dot_general3A_160, %mul3A_162 : vector<128x128xf32>
    %add3A_164 = arith.addf %mul3A_163, %select_n3A_91 : vector<128x128xf32>
    %jit3A_165 = arith.constant -1.000000e+30 : f32
    %broadcast_in_dim3A_166 = vector.broadcast %jit3A_165 : f32 to vector<128x128xf32>
    %select_n3A_167 = arith.select %or3A, %add3A_164, %broadcast_in_dim3A_166 : vector<128x128xi1>, vector<128x128xf32>
    %dot_general3A_168 = arith.constant dense<0.000000e+00> : vector<128x32xf32>
    %dot_general3A_169 = tpu.matmul %select_n3A_78, %slice3A_157, %dot_general3A_168 {dimension_numbers = #tpu.dot_dimension_numbers<[1], [0], [0], [1], [0, 0, 1, 1], [], []>, transpose_lhs_hint = false} : vector<128x4xf32>, vector<4x32xf32>, vector<128x32xf32> -> vector<128x32xf32>
    %mul3A_170 = arith.mulf %slice3A_154, %dot_general3A_169 : vector<128x32xf32>
    %reduce_sum3A_171 = arith.constant dense<0.000000e+00> : vector<128xf32>
    %reduce_sum3A_172 = vector.multi_reduction <add>, %mul3A_170, %reduce_sum3A_171 [1] : vector<128x32xf32> to vector<128xf32>
    %broadcast_in_dim3A_173 = vector.shape_cast %reduce_sum3A_172 : vector<128xf32> to vector<128x1xf32>
    %mul3A_174 = arith.constant 0.176776692 : f32
    %mul3A_175 = vector.broadcast %mul3A_174 : f32 to vector<128x1xf32>
    %mul3A_176 = arith.mulf %broadcast_in_dim3A_173, %mul3A_175 : vector<128x1xf32>
    %add3A_177 = arith.constant 1.000000e+00 : f32
    %add3A_178 = vector.broadcast %add3A_177 : f32 to vector<128x1xf32>
    %add3A_179 = arith.addf %mul3A_176, %add3A_178 : vector<128x1xf32>
    %reduce_max3A_180 = arith.constant dense<0xFF800000> : vector<128xf32>
    %reduce_max3A_181 = vector.multi_reduction <maximumf>, %select_n3A_167, %reduce_max3A_180 [1] : vector<128x128xf32> to vector<128xf32>
    %broadcast_in_dim3A_182 = vector.shape_cast %reduce_max3A_181 : vector<128xf32> to vector<128x1xf32>
    %max3A_183 = arith.maximumf %broadcast_in_dim3A_182, %add3A_179 : vector<128x1xf32>
    %sub3A_184 = vector.broadcast %max3A_183 : vector<128x1xf32> to vector<128x128xf32>
    %sub3A_185 = arith.subf %select_n3A_167, %sub3A_184 : vector<128x128xf32>
    %exp3A_186 = math.exp %sub3A_185 : vector<128x128xf32>
    %sub3A_187 = arith.subf %add3A_179, %max3A_183 : vector<128x1xf32>
    %exp3A_188 = math.exp %sub3A_187 : vector<128x1xf32>
    %reduce_sum3A_189 = arith.constant dense<0.000000e+00> : vector<128xf32>
    %reduce_sum3A_190 = vector.multi_reduction <add>, %exp3A_186, %reduce_sum3A_189 [1] : vector<128x128xf32> to vector<128xf32>
    %broadcast_in_dim3A_191 = vector.shape_cast %reduce_sum3A_190 : vector<128xf32> to vector<128x1xf32>
    %add3A_192 = arith.addf %broadcast_in_dim3A_191, %exp3A_188 : vector<128x1xf32>
    %get3A_193 = arith.constant 0 : index
    %get3A_194 = arith.constant 1 : index
    %get3A_195 = vector.load %arg7[%get3A_193, %get3A_194] : memref<8x128xf32, #tpu.memory_space<vmem>>, vector<1x1xf32>
    %get3A_196 = vector.extract %get3A_195[0, 0] : f32 from vector<1x1xf32>
    %get3A_197 = arith.constant 1 : index
    %get3A_198 = arith.constant 1 : index
    %get3A_199 = vector.load %arg7[%get3A_197, %get3A_198] : memref<8x128xf32, #tpu.memory_space<vmem>>, vector<1x1xf32>
    %get3A_200 = vector.extract %get3A_199[0, 0] : f32 from vector<1x1xf32>
    %div3A_201 = vector.broadcast %add3A_192 : vector<128x1xf32> to vector<128x128xf32>
    %div3A_202 = arith.divf %exp3A_186, %div3A_201 : vector<128x128xf32>
    %mul3A_203 = vector.broadcast %get3A_196 : f32 to vector<128x128xf32>
    %mul3A_204 = arith.mulf %select_n3A_91, %mul3A_203 : vector<128x128xf32>
    %add3A_205 = vector.broadcast %get3A_200 : f32 to vector<128x128xf32>
    %add3A_206 = arith.addf %mul3A_204, %add3A_205 : vector<128x128xf32>
    %jit3A_207 = arith.constant 0.000000e+00 : f32
    %broadcast_in_dim3A_208 = vector.broadcast %jit3A_207 : f32 to vector<128x128xf32>
    %select_n3A_209 = arith.select %or3A, %add3A_206, %broadcast_in_dim3A_208 : vector<128x128xi1>, vector<128x128xf32>
    %add3A_210 = arith.addf %div3A_202, %select_n3A_209 : vector<128x128xf32>
    %div3A_211 = arith.divf %exp3A_188, %add3A_192 : vector<128x1xf32>
    %add3A_212 = arith.addf %get3A_196, %get3A_200 : f32
    %add3A_213 = vector.broadcast %add3A_212 : f32 to vector<128x1xf32>
    %add3A_214 = arith.addf %div3A_211, %add3A_213 : vector<128x1xf32>
    %dot_general3A_215 = arith.constant dense<0.000000e+00> : vector<128x32xf32>
    %dot_general3A_216 = tpu.matmul %select_n3A_78, %slice3A_158, %dot_general3A_215 {dimension_numbers = #tpu.dot_dimension_numbers<[1], [0], [0], [1], [0, 0, 1, 1], [], []>, transpose_lhs_hint = false} : vector<128x4xf32>, vector<4x32xf32>, vector<128x32xf32> -> vector<128x32xf32>
    %dot_general3A_217 = arith.constant dense<0.000000e+00> : vector<128x32xf32>
    %dot_general3A_218 = tpu.matmul %add3A_210, %slice3A_156, %dot_general3A_217 {dimension_numbers = #tpu.dot_dimension_numbers<[1], [0], [0], [1], [0, 0, 1, 1], [], []>, transpose_lhs_hint = false} : vector<128x128xf32>, vector<128x32xf32>, vector<128x32xf32> -> vector<128x32xf32>
    %mul3A_219 = vector.broadcast %add3A_214 : vector<128x1xf32> to vector<128x32xf32>
    %mul3A_220 = arith.mulf %mul3A_219, %dot_general3A_216 : vector<128x32xf32>
    %add3A_221 = arith.addf %dot_general3A_218, %mul3A_220 : vector<128x32xf32>
    %slice3A_222 = vector.extract_strided_slice %add3A_9 {offsets = [0, 64], sizes = [128, 32], strides = [1, 1]} : vector<128x384xf32> to vector<128x32xf32>
    %slice3A_223 = vector.extract_strided_slice %add3A_9 {offsets = [0, 192], sizes = [128, 32], strides = [1, 1]} : vector<128x384xf32> to vector<128x32xf32>
    %slice3A_224 = vector.extract_strided_slice %add3A_9 {offsets = [0, 320], sizes = [128, 32], strides = [1, 1]} : vector<128x384xf32> to vector<128x32xf32>
    %slice3A_225 = vector.extract_strided_slice %dot_general3A_39 {offsets = [0, 192], sizes = [4, 32], strides = [1, 1]} : vector<4x384xf32> to vector<4x32xf32>
    %slice3A_226 = vector.extract_strided_slice %dot_general3A_39 {offsets = [0, 320], sizes = [4, 32], strides = [1, 1]} : vector<4x384xf32> to vector<4x32xf32>
    %dot_general3A_227 = arith.constant dense<0.000000e+00> : vector<128x128xf32>
    %dot_general3A_228 = tpu.matmul %slice3A_222, %slice3A_223, %dot_general3A_227 {dimension_numbers = #tpu.dot_dimension_numbers<[1], [1], [0], [0], [0, 0, 1, 0], [], []>, transpose_lhs_hint = false} : vector<128x32xf32>, vector<128x32xf32>, vector<128x128xf32> -> vector<128x128xf32>
    %mul3A_229 = arith.constant 0.176776692 : f32
    %mul3A_230 = vector.broadcast %mul3A_229 : f32 to vector<128x128xf32>
    %mul3A_231 = arith.mulf %dot_general3A_228, %mul3A_230 : vector<128x128xf32>
    %add3A_232 = arith.addf %mul3A_231, %select_n3A_91 : vector<128x128xf32>
    %jit3A_233 = arith.constant -1.000000e+30 : f32
    %broadcast_in_dim3A_234 = vector.broadcast %jit3A_233 : f32 to vector<128x128xf32>
    %select_n3A_235 = arith.select %or3A, %add3A_232, %broadcast_in_dim3A_234 : vector<128x128xi1>, vector<128x128xf32>
    %dot_general3A_236 = arith.constant dense<0.000000e+00> : vector<128x32xf32>
    %dot_general3A_237 = tpu.matmul %select_n3A_78, %slice3A_225, %dot_general3A_236 {dimension_numbers = #tpu.dot_dimension_numbers<[1], [0], [0], [1], [0, 0, 1, 1], [], []>, transpose_lhs_hint = false} : vector<128x4xf32>, vector<4x32xf32>, vector<128x32xf32> -> vector<128x32xf32>
    %mul3A_238 = arith.mulf %slice3A_222, %dot_general3A_237 : vector<128x32xf32>
    %reduce_sum3A_239 = arith.constant dense<0.000000e+00> : vector<128xf32>
    %reduce_sum3A_240 = vector.multi_reduction <add>, %mul3A_238, %reduce_sum3A_239 [1] : vector<128x32xf32> to vector<128xf32>
    %broadcast_in_dim3A_241 = vector.shape_cast %reduce_sum3A_240 : vector<128xf32> to vector<128x1xf32>
    %mul3A_242 = arith.constant 0.176776692 : f32
    %mul3A_243 = vector.broadcast %mul3A_242 : f32 to vector<128x1xf32>
    %mul3A_244 = arith.mulf %broadcast_in_dim3A_241, %mul3A_243 : vector<128x1xf32>
    %add3A_245 = arith.constant 1.000000e+00 : f32
    %add3A_246 = vector.broadcast %add3A_245 : f32 to vector<128x1xf32>
    %add3A_247 = arith.addf %mul3A_244, %add3A_246 : vector<128x1xf32>
    %reduce_max3A_248 = arith.constant dense<0xFF800000> : vector<128xf32>
    %reduce_max3A_249 = vector.multi_reduction <maximumf>, %select_n3A_235, %reduce_max3A_248 [1] : vector<128x128xf32> to vector<128xf32>
    %broadcast_in_dim3A_250 = vector.shape_cast %reduce_max3A_249 : vector<128xf32> to vector<128x1xf32>
    %max3A_251 = arith.maximumf %broadcast_in_dim3A_250, %add3A_247 : vector<128x1xf32>
    %sub3A_252 = vector.broadcast %max3A_251 : vector<128x1xf32> to vector<128x128xf32>
    %sub3A_253 = arith.subf %select_n3A_235, %sub3A_252 : vector<128x128xf32>
    %exp3A_254 = math.exp %sub3A_253 : vector<128x128xf32>
    %sub3A_255 = arith.subf %add3A_247, %max3A_251 : vector<128x1xf32>
    %exp3A_256 = math.exp %sub3A_255 : vector<128x1xf32>
    %reduce_sum3A_257 = arith.constant dense<0.000000e+00> : vector<128xf32>
    %reduce_sum3A_258 = vector.multi_reduction <add>, %exp3A_254, %reduce_sum3A_257 [1] : vector<128x128xf32> to vector<128xf32>
    %broadcast_in_dim3A_259 = vector.shape_cast %reduce_sum3A_258 : vector<128xf32> to vector<128x1xf32>
    %add3A_260 = arith.addf %broadcast_in_dim3A_259, %exp3A_256 : vector<128x1xf32>
    %get3A_261 = arith.constant 0 : index
    %get3A_262 = arith.constant 2 : index
    %get3A_263 = vector.load %arg7[%get3A_261, %get3A_262] : memref<8x128xf32, #tpu.memory_space<vmem>>, vector<1x1xf32>
    %get3A_264 = vector.extract %get3A_263[0, 0] : f32 from vector<1x1xf32>
    %get3A_265 = arith.constant 1 : index
    %get3A_266 = arith.constant 2 : index
    %get3A_267 = vector.load %arg7[%get3A_265, %get3A_266] : memref<8x128xf32, #tpu.memory_space<vmem>>, vector<1x1xf32>
    %get3A_268 = vector.extract %get3A_267[0, 0] : f32 from vector<1x1xf32>
    %div3A_269 = vector.broadcast %add3A_260 : vector<128x1xf32> to vector<128x128xf32>
    %div3A_270 = arith.divf %exp3A_254, %div3A_269 : vector<128x128xf32>
    %mul3A_271 = vector.broadcast %get3A_264 : f32 to vector<128x128xf32>
    %mul3A_272 = arith.mulf %select_n3A_91, %mul3A_271 : vector<128x128xf32>
    %add3A_273 = vector.broadcast %get3A_268 : f32 to vector<128x128xf32>
    %add3A_274 = arith.addf %mul3A_272, %add3A_273 : vector<128x128xf32>
    %jit3A_275 = arith.constant 0.000000e+00 : f32
    %broadcast_in_dim3A_276 = vector.broadcast %jit3A_275 : f32 to vector<128x128xf32>
    %select_n3A_277 = arith.select %or3A, %add3A_274, %broadcast_in_dim3A_276 : vector<128x128xi1>, vector<128x128xf32>
    %add3A_278 = arith.addf %div3A_270, %select_n3A_277 : vector<128x128xf32>
    %div3A_279 = arith.divf %exp3A_256, %add3A_260 : vector<128x1xf32>
    %add3A_280 = arith.addf %get3A_264, %get3A_268 : f32
    %add3A_281 = vector.broadcast %add3A_280 : f32 to vector<128x1xf32>
    %add3A_282 = arith.addf %div3A_279, %add3A_281 : vector<128x1xf32>
    %dot_general3A_283 = arith.constant dense<0.000000e+00> : vector<128x32xf32>
    %dot_general3A_284 = tpu.matmul %select_n3A_78, %slice3A_226, %dot_general3A_283 {dimension_numbers = #tpu.dot_dimension_numbers<[1], [0], [0], [1], [0, 0, 1, 1], [], []>, transpose_lhs_hint = false} : vector<128x4xf32>, vector<4x32xf32>, vector<128x32xf32> -> vector<128x32xf32>
    %dot_general3A_285 = arith.constant dense<0.000000e+00> : vector<128x32xf32>
    %dot_general3A_286 = tpu.matmul %add3A_278, %slice3A_224, %dot_general3A_285 {dimension_numbers = #tpu.dot_dimension_numbers<[1], [0], [0], [1], [0, 0, 1, 1], [], []>, transpose_lhs_hint = false} : vector<128x128xf32>, vector<128x32xf32>, vector<128x32xf32> -> vector<128x32xf32>
    %mul3A_287 = vector.broadcast %add3A_282 : vector<128x1xf32> to vector<128x32xf32>
    %mul3A_288 = arith.mulf %mul3A_287, %dot_general3A_284 : vector<128x32xf32>
    %add3A_289 = arith.addf %dot_general3A_286, %mul3A_288 : vector<128x32xf32>
    %slice3A_290 = vector.extract_strided_slice %add3A_9 {offsets = [0, 96], sizes = [128, 32], strides = [1, 1]} : vector<128x384xf32> to vector<128x32xf32>
    %slice3A_291 = vector.extract_strided_slice %add3A_9 {offsets = [0, 224], sizes = [128, 32], strides = [1, 1]} : vector<128x384xf32> to vector<128x32xf32>
    %slice3A_292 = vector.extract_strided_slice %add3A_9 {offsets = [0, 352], sizes = [128, 32], strides = [1, 1]} : vector<128x384xf32> to vector<128x32xf32>
    %slice3A_293 = vector.extract_strided_slice %dot_general3A_39 {offsets = [0, 224], sizes = [4, 32], strides = [1, 1]} : vector<4x384xf32> to vector<4x32xf32>
    %slice3A_294 = vector.extract_strided_slice %dot_general3A_39 {offsets = [0, 352], sizes = [4, 32], strides = [1, 1]} : vector<4x384xf32> to vector<4x32xf32>
    %dot_general3A_295 = arith.constant dense<0.000000e+00> : vector<128x128xf32>
    %dot_general3A_296 = tpu.matmul %slice3A_290, %slice3A_291, %dot_general3A_295 {dimension_numbers = #tpu.dot_dimension_numbers<[1], [1], [0], [0], [0, 0, 1, 0], [], []>, transpose_lhs_hint = false} : vector<128x32xf32>, vector<128x32xf32>, vector<128x128xf32> -> vector<128x128xf32>
    %mul3A_297 = arith.constant 0.176776692 : f32
    %mul3A_298 = vector.broadcast %mul3A_297 : f32 to vector<128x128xf32>
    %mul3A_299 = arith.mulf %dot_general3A_296, %mul3A_298 : vector<128x128xf32>
    %add3A_300 = arith.addf %mul3A_299, %select_n3A_91 : vector<128x128xf32>
    %jit3A_301 = arith.constant -1.000000e+30 : f32
    %broadcast_in_dim3A_302 = vector.broadcast %jit3A_301 : f32 to vector<128x128xf32>
    %select_n3A_303 = arith.select %or3A, %add3A_300, %broadcast_in_dim3A_302 : vector<128x128xi1>, vector<128x128xf32>
    %dot_general3A_304 = arith.constant dense<0.000000e+00> : vector<128x32xf32>
    %dot_general3A_305 = tpu.matmul %select_n3A_78, %slice3A_293, %dot_general3A_304 {dimension_numbers = #tpu.dot_dimension_numbers<[1], [0], [0], [1], [0, 0, 1, 1], [], []>, transpose_lhs_hint = false} : vector<128x4xf32>, vector<4x32xf32>, vector<128x32xf32> -> vector<128x32xf32>
    %mul3A_306 = arith.mulf %slice3A_290, %dot_general3A_305 : vector<128x32xf32>
    %reduce_sum3A_307 = arith.constant dense<0.000000e+00> : vector<128xf32>
    %reduce_sum3A_308 = vector.multi_reduction <add>, %mul3A_306, %reduce_sum3A_307 [1] : vector<128x32xf32> to vector<128xf32>
    %broadcast_in_dim3A_309 = vector.shape_cast %reduce_sum3A_308 : vector<128xf32> to vector<128x1xf32>
    %mul3A_310 = arith.constant 0.176776692 : f32
    %mul3A_311 = vector.broadcast %mul3A_310 : f32 to vector<128x1xf32>
    %mul3A_312 = arith.mulf %broadcast_in_dim3A_309, %mul3A_311 : vector<128x1xf32>
    %add3A_313 = arith.constant 1.000000e+00 : f32
    %add3A_314 = vector.broadcast %add3A_313 : f32 to vector<128x1xf32>
    %add3A_315 = arith.addf %mul3A_312, %add3A_314 : vector<128x1xf32>
    %reduce_max3A_316 = arith.constant dense<0xFF800000> : vector<128xf32>
    %reduce_max3A_317 = vector.multi_reduction <maximumf>, %select_n3A_303, %reduce_max3A_316 [1] : vector<128x128xf32> to vector<128xf32>
    %broadcast_in_dim3A_318 = vector.shape_cast %reduce_max3A_317 : vector<128xf32> to vector<128x1xf32>
    %max3A_319 = arith.maximumf %broadcast_in_dim3A_318, %add3A_315 : vector<128x1xf32>
    %sub3A_320 = vector.broadcast %max3A_319 : vector<128x1xf32> to vector<128x128xf32>
    %sub3A_321 = arith.subf %select_n3A_303, %sub3A_320 : vector<128x128xf32>
    %exp3A_322 = math.exp %sub3A_321 : vector<128x128xf32>
    %sub3A_323 = arith.subf %add3A_315, %max3A_319 : vector<128x1xf32>
    %exp3A_324 = math.exp %sub3A_323 : vector<128x1xf32>
    %reduce_sum3A_325 = arith.constant dense<0.000000e+00> : vector<128xf32>
    %reduce_sum3A_326 = vector.multi_reduction <add>, %exp3A_322, %reduce_sum3A_325 [1] : vector<128x128xf32> to vector<128xf32>
    %broadcast_in_dim3A_327 = vector.shape_cast %reduce_sum3A_326 : vector<128xf32> to vector<128x1xf32>
    %add3A_328 = arith.addf %broadcast_in_dim3A_327, %exp3A_324 : vector<128x1xf32>
    %get3A_329 = arith.constant 0 : index
    %get3A_330 = arith.constant 3 : index
    %get3A_331 = vector.load %arg7[%get3A_329, %get3A_330] : memref<8x128xf32, #tpu.memory_space<vmem>>, vector<1x1xf32>
    %get3A_332 = vector.extract %get3A_331[0, 0] : f32 from vector<1x1xf32>
    %get3A_333 = arith.constant 1 : index
    %get3A_334 = arith.constant 3 : index
    %get3A_335 = vector.load %arg7[%get3A_333, %get3A_334] : memref<8x128xf32, #tpu.memory_space<vmem>>, vector<1x1xf32>
    %get3A_336 = vector.extract %get3A_335[0, 0] : f32 from vector<1x1xf32>
    %div3A_337 = vector.broadcast %add3A_328 : vector<128x1xf32> to vector<128x128xf32>
    %div3A_338 = arith.divf %exp3A_322, %div3A_337 : vector<128x128xf32>
    %mul3A_339 = vector.broadcast %get3A_332 : f32 to vector<128x128xf32>
    %mul3A_340 = arith.mulf %select_n3A_91, %mul3A_339 : vector<128x128xf32>
    %add3A_341 = vector.broadcast %get3A_336 : f32 to vector<128x128xf32>
    %add3A_342 = arith.addf %mul3A_340, %add3A_341 : vector<128x128xf32>
    %jit3A_343 = arith.constant 0.000000e+00 : f32
    %broadcast_in_dim3A_344 = vector.broadcast %jit3A_343 : f32 to vector<128x128xf32>
    %select_n3A_345 = arith.select %or3A, %add3A_342, %broadcast_in_dim3A_344 : vector<128x128xi1>, vector<128x128xf32>
    %add3A_346 = arith.addf %div3A_338, %select_n3A_345 : vector<128x128xf32>
    %div3A_347 = arith.divf %exp3A_324, %add3A_328 : vector<128x1xf32>
    %add3A_348 = arith.addf %get3A_332, %get3A_336 : f32
    %add3A_349 = vector.broadcast %add3A_348 : f32 to vector<128x1xf32>
    %add3A_350 = arith.addf %div3A_347, %add3A_349 : vector<128x1xf32>
    %dot_general3A_351 = arith.constant dense<0.000000e+00> : vector<128x32xf32>
    %dot_general3A_352 = tpu.matmul %select_n3A_78, %slice3A_294, %dot_general3A_351 {dimension_numbers = #tpu.dot_dimension_numbers<[1], [0], [0], [1], [0, 0, 1, 1], [], []>, transpose_lhs_hint = false} : vector<128x4xf32>, vector<4x32xf32>, vector<128x32xf32> -> vector<128x32xf32>
    %dot_general3A_353 = arith.constant dense<0.000000e+00> : vector<128x32xf32>
    %dot_general3A_354 = tpu.matmul %add3A_346, %slice3A_292, %dot_general3A_353 {dimension_numbers = #tpu.dot_dimension_numbers<[1], [0], [0], [1], [0, 0, 1, 1], [], []>, transpose_lhs_hint = false} : vector<128x128xf32>, vector<128x32xf32>, vector<128x32xf32> -> vector<128x32xf32>
    %mul3A_355 = vector.broadcast %add3A_350 : vector<128x1xf32> to vector<128x32xf32>
    %mul3A_356 = arith.mulf %mul3A_355, %dot_general3A_352 : vector<128x32xf32>
    %add3A_357 = arith.addf %dot_general3A_354, %mul3A_356 : vector<128x32xf32>
    %concatenate3A = tpu.concatenate %add3A_153, %add3A_221, %add3A_289, %add3A_357 in 1 : vector<128x32xf32>, vector<128x32xf32>, vector<128x32xf32>, vector<128x32xf32> -> vector<128x128xf32>
    %get3A_358 = arith.constant 0 : index
    %get3A_359 = arith.constant 0 : index
    %get3A_360 = vector.load %arg5[%get3A_358, %get3A_359] : memref<128x128xf32, #tpu.memory_space<vmem>>, vector<128x128xf32>
    %dot_general3A_361 = arith.constant dense<0.000000e+00> : vector<128x128xf32>
    %dot_general3A_362 = tpu.matmul %concatenate3A, %get3A_360, %dot_general3A_361 {dimension_numbers = #tpu.dot_dimension_numbers<[1], [0], [0], [1], [0, 0, 1, 1], [], []>, transpose_lhs_hint = false} : vector<128x128xf32>, vector<128x128xf32>, vector<128x128xf32> -> vector<128x128xf32>
    %get3A_363 = arith.constant 0 : index
    %get3A_364 = arith.constant 0 : index
    %get3A_365 = vector.load %arg6[%get3A_363, %get3A_364] : memref<8x128xf32, #tpu.memory_space<vmem>>, vector<1x128xf32>
    %add3A_366 = vector.broadcast %get3A_365 : vector<1x128xf32> to vector<128x128xf32>
    %add3A_367 = arith.addf %dot_general3A_362, %add3A_366 : vector<128x128xf32>
    %swap3A = arith.constant 0 : index
    %swap3A_368 = arith.constant 0 : index
    %swap3A_369 = vector.load %arg8[%swap3A, %swap3A_368] : memref<128x128xf32, #tpu.memory_space<vmem>>, vector<128x128xf32>
    tpu.vector_store %arg8[%swap3A, %swap3A_368], %add3A_367 {strides = array<i32>} : memref<128x128xf32, #tpu.memory_space<vmem>>, vector<128x128xf32>,
    return
  }
  func.func @transform_0(%arg0: i32) -> (i32, i32) {
    %c0_i32 = arith.constant 0 : i32
    %c0_i32_0 = arith.constant 0 : i32
    return %arg0, %c0_i32 : i32, i32
  }
  func.func @transform_1(%arg0: i32) -> (i32, i32) {
    %c0_i32 = arith.constant 0 : i32
    %c0_i32_0 = arith.constant 0 : i32
    return %arg0, %c0_i32 : i32, i32
  }
  func.func @transform_2(%arg0: i32) -> (i32, i32) {
    %c0_i32 = arith.constant 0 : i32
    %c0_i32_0 = arith.constant 0 : i32
    %c0_i32_1 = arith.constant 0 : i32
    return %c0_i32, %c0_i32_0 : i32, i32
  }
  func.func @transform_3(%arg0: i32) -> (i32, i32) {
    %c0_i32 = arith.constant 0 : i32
    %c0_i32_0 = arith.constant 0 : i32
    %c0_i32_1 = arith.constant 0 : i32
    return %c0_i32, %c0_i32_0 : i32, i32
  }
  func.func @transform_4(%arg0: i32) -> (i32, i32) {
    %c0_i32 = arith.constant 0 : i32
    %c0_i32_0 = arith.constant 0 : i32
    %c0_i32_1 = arith.constant 0 : i32
    return %c0_i32, %c0_i32_0 : i32, i32
  }
  func.func @transform_5(%arg0: i32) -> (i32, i32) {
    %c0_i32 = arith.constant 0 : i32
    %c0_i32_0 = arith.constant 0 : i32
    %c0_i32_1 = arith.constant 0 : i32
    return %c0_i32, %c0_i32_0 : i32, i32
  }
  func.func @transform_6(%arg0: i32) -> (i32, i32) {
    %c0_i32 = arith.constant 0 : i32
    %c0_i32_0 = arith.constant 0 : i32
    %c0_i32_1 = arith.constant 0 : i32
    return %c0_i32, %c0_i32_0 : i32, i32
  }
  func.func @transform_7(%arg0: i32) -> (i32, i32) {
    %c0_i32 = arith.constant 0 : i32
    %c0_i32_0 = arith.constant 0 : i32
    return %arg0, %c0_i32 : i32, i32
  }
}

</mosaic_0001>

<sc_bundles>
// kernel: kernel.5.cloned.1.call-start
scs
__scs_entry_jumppad:
0x0: {  	(pc) =	sbr.rel $0x88, $3  }
0x1: {  	(tag) =	ssettag $0x0;
	lr =	simm.s32 $0x1  }
0x2: {  	[smem:$0x3F98] =	sst lr;
	_ =	strace $0xD0000000  }
0x3: {  	_ = 	snop  }
0x4: {  	_ = 	snop  }
0x5: {  	_ = 	snop  }
0x6: {  	_ = 	snop  }
0x7: {  	_ = 	snop  }
__scs_overlays_trampoline_lowered:
0x8: {  	[smem:$0x3FA7] =	sst s0  }
0x9: {  	[smem:$0x3FA8] =	sst s1  }
0xa: {  	[smem:$0x3FA9] =	sst s2  }
0xb: {  	[smem:$0x3FAA] =	sst s3  }
0xc: {  	[smem:$0x3FAB] =	sst s4  }
0xd: {  	[smem:$0x3FAC] =	sst s5  }
0xe: {  	[smem:$0x3FAD] =	sst s6  }
0xf: {  	[smem:$0x3FAE] =	sst s7  }
0x10: {  	[smem:$0x3FAF] =	sst s8  }
0x11: {  	[smem:$0x3FB0] =	sst s9;
	s0 =	simm.s32 @!p0 $0x0  }
0x12: {  	s1 =	sld [smem:$0x3F96];
	s0 =	simm.s32 @p0 $0x1  }
0x13: {  	[smem:$0x3FB1] =	sst s0;
	s0 =	simm.s32 @!p1 $0x0  }
0x14: {  	s2 =	sld [smem:$0x3F95];
	s0 =	simm.s32 @p1 $0x1  }
0x15: {  	[smem:$0x3FB2] =	sst s0;
	s0 =	simm.s32 @!p2 $0x0  }
0x16: {  	s3 =	sld [smem:$0x3FDB];
	s0 =	simm.s32 @p2 $0x1  }
0x17: {  	s4 =	simm.s32 $0x1BF5;
	[smem:$0x3FB4] =	sst s0  }
0x18: {  	s0 =	sld [smem:$0x3F97];
	_ =	swait.ge [sflag:s4], $0x0  }
0x19: {  	s7 =	sld [smem:$0x3F98]  }
0x1a: {  	s8 =	sadd.s32 $0xFFFFE003, lr  }
0x1b: {  	s9 =	sadd.s32 $0xFFFFFEF7, lr;
	s5 =	simm.s32 $0xFFFFFFFF;
	p2 =	slt.u32 s8, $0xFFFFF086  }
0x1c: {  	p1 =	slt.u32 s9, $0xF7A;
	s5 =	simm.s32 @!p2 $0x0  }
0x1d: {  	s5 =	simm.s32 @p1 $0x1;
	p0 =	seq.s32 s7, s2  }
0x1e: {  	s7 =	smul.u32 @!p0 $0xF7A, s2;
	p2 =	seq.s32 @!p0 s5, $0x0  }
0x1f: {  	s9 =	smul.u32 $0xF7A, s1;
	s8 =	simm.s32 @!p0 $0x1BF5;
	p2 =	por !p2, p0  }
0x20: {  	[sflag:s8] =	ssyncset.s32 @!p0 $0xFFFFF086;
	s6 =	sadd.s32 @!p0 s3, s7;
	s7 =	simm.s32 @!p0 $0x108  }
0x21: {  	s3 =	sadd.s32 s3, s9;
	s6 =	sadd.s32 @!p0 $0x88, s6;
	s7 =	simm.s32 @p2 $0x1082  }
0x22: {  	[simem:s7], [sflag:s8] =	dma.local @!p0 [hbm:s6], $0xF7A  }
0x23: {  	s9 =	sor.u32 $0xD0000000, s2;
	s6 =	simm.s32 $0x108;
	_ =	swait.ge @!p0 [sflag:s8], $0x0  }
0x24: {  	s3 =	sadd.s32 $0x88, s3;
	s6 =	simm.s32 @!p1 $0x1082;
	[sflag:s4] =	ssyncset.s32 $0xFFFFF086  }
0x25: {  	[simem:s6], [sflag:s4] =	dma.local [hbm:s3], $0xF7A  }
0x26: {  	[smem:$0x3F98] =	sst s1;
	(tag) =	ssettag s2;
	_ =	strace s9  }
0x27: {  	s1 =	sld [smem:$0x3FA8]  }
0x28: {  	s2 =	sld [smem:$0x3FA9]  }
0x29: {  	s4 =	sld [smem:$0x3FAB]  }
0x2a: {  	p0 =	seq.s32 s5, $0x0;
	s5 =	sld [smem:$0x3FAC]  }
0x2b: {  	s6 =	sld [smem:$0x3FAD]  }
0x2c: {  	s7 =	sld [smem:$0x3FAE]  }
0x2d: {  	s3 =	simm.s32 $0x108;
	s8 =	sld [smem:$0x3FAF]  }
0x2e: {  	s3 =	simm.s32 @!p0 $0x1082;
	s9 =	sld [smem:$0x3FB0]  }
0x2f: {  	lr =	sadd.s32 s0, s3;
	s0 =	sld [smem:$0x3FA7]  }
0x30: {  	s3 =	sld [smem:$0x3FAA]  }
0x31: {  	[smem:$0x3FB3] =	sst s10  }
0x32: {  	s10 =	sld [smem:$0x3FB1];
	_ =	sdelay $0x3  }
0x33: {  	p0 =	seq.s32 s10, $0x1;
	s10 =	sld [smem:$0x3FB3];
	_ =	sdelay $0x3  }
0x34: {  	[smem:$0x3FB3] =	sst s10  }
0x35: {  	s10 =	sld [smem:$0x3FB2];
	_ =	sdelay $0x3  }
0x36: {  	p1 =	seq.s32 s10, $0x1;
	s10 =	sld [smem:$0x3FB3];
	_ =	sdelay $0x3  }
0x37: {  	[smem:$0x3FB3] =	sst s10  }
0x38: {  	s10 =	sld [smem:$0x3FB4]  }
0x39: {  	_ = 	snop;
	(pc) =	sbr.ind lr, $3  }
0x3a: {  	_ = 	snop  }
0x3b: {  	_ = 	snop  }
0x3c: {  	p2 =	seq.s32 s10, $0x1;
	s10 =	sld [smem:$0x3FB3]  }
0x3d: {  	_ =	shalt  }
0x3e: {  	_ =	shalt  }
0x3f: {  	_ =	shalt  }
0x40: {  	_ =	shalt  }
0x41: {  	_ =	shalt  }
0x42: {  	_ =	shalt  }
0x43: {  	_ =	shalt  }
0x44: {  	_ =	shalt  }
0x45: {  	_ =	shalt  }
0x46: {  	_ =	shalt  }
0x47: {  	_ =	shalt  }
0x48: {  	_ =	shalt  }
0x49: {  	_ =	shalt  }
0x4a: {  	_ =	shalt  }
0x4b: {  	_ =	shalt  }
0x4c: {  	_ =	shalt  }
0x4d: {  	_ =	shalt  }
0x4e: {  	_ =	shalt  }
0x4f: {  	_ =	shalt  }
0x50: {  	_ =	shalt  }
0x51: {  	_ =	shalt  }
0x52: {  	_ =	shalt  }
0x53: {  	_ =	shalt  }
0x54: {  	_ =	shalt  }
0x55: {  	_ =	shalt  }
0x56: {  	_ =	shalt  }
0x57: {  	_ =	shalt  }
0x58: {  	_ =	shalt  }
0x59: {  	_ =	shalt  }
0x5a: {  	_ =	shalt  }
0x5b: {  	_ =	shalt  }
0x5c: {  	_ =	shalt  }
0x5d: {  	_ =	shalt  }
0x5e: {  	_ =	shalt  }
0x5f: {  	_ =	shalt  }
0x60: {  	_ =	shalt  }
0x61: {  	_ =	shalt  }
0x62: {  	_ =	shalt  }
0x63: {  	_ =	shalt  }
0x64: {  	_ =	shalt  }
0x65: {  	_ =	shalt  }
0x66: {  	_ =	shalt  }
0x67: {  	_ =	shalt  }
0x68: {  	_ =	shalt  }
0x69: {  	_ =	shalt  }
0x6a: {  	_ =	shalt  }
0x6b: {  	_ =	shalt  }
0x6c: {  	_ =	shalt  }
0x6d: {  	_ =	shalt  }
0x6e: {  	_ =	shalt  }
0x6f: {  	_ =	shalt  }
0x70: {  	_ =	shalt  }
0x71: {  	_ =	shalt  }
0x72: {  	_ =	shalt  }
0x73: {  	_ =	shalt  }
0x74: {  	_ =	shalt  }
0x75: {  	_ =	shalt  }
0x76: {  	_ =	shalt  }
0x77: {  	_ =	shalt  }
0x78: {  	_ =	shalt  }
0x79: {  	_ =	shalt  }
0x7a: {  	_ =	shalt  }
0x7b: {  	_ =	shalt  }
0x7c: {  	_ =	shalt  }
0x7d: {  	_ =	shalt  }
0x7e: {  	_ =	shalt  }
0x7f: {  	_ =	shalt  }
0x80: {  	_ =	shalt  }
0x81: {  	_ =	shalt  }
0x82: {  	_ =	shalt  }
0x83: {  	_ =	shalt  }
0x84: {  	_ =	shalt  }
0x85: {  	_ =	shalt  }
0x86: {  	_ =	shalt  }
0x87: {  	_ =	shalt  }
.Lfunc_end0:
.L_simem_size_0:
called_computation_lowered:
.L_overlay_start_0:
0x88: {  	s2 =	sld [smem:$0x3FD9]  }
0x89: {  	s3 =	sld [smem:$0x3FFE];
	_ =	sdelay $0x1  }
0x8a: {  	s1 =	srdreg.scid  }
0x8b: {  	s0 =	sand.u32 $0x1, s1  }
0x8c: {  	s17 =	sshll.u32 s0, $0xA;
	s2 =	sadd.s32 s3, s2  }
0x8d: {  	s2 =	sadd.s32 s2, s17  }
0x8e: {  	[smem:$0x3FBF] =	sst s2  }
0x8f: {  	_ = 	snop  }
0x90: {  	s2 =	sld [smem:$0x3FC7]  }
0x91: {  	s18 =	sld [smem:$0x3FD0];
	(tm) =	ssettm $0x1  }
0x92: {  	s4 =	sld [smem:$0x3FFB];
	_ =	sdelay $0x3  }
0x93: {  	_ =	strace s4  }
0x94: {  	s4 =	sld [smem:$0x3FFC];
	_ =	sdelay $0x3  }
0x95: {  	_ =	strace s4  }
0x96: {  	s4 =	sld [smem:$0x3FFD];
	_ =	sdelay $0x3  }
0x97: {  	_ =	strace s4  }
0x98: {  	_ =	strace $0x8FFFFFFF  }
0x99: {  	s19 =	sld [smem:$0x3FDB];
	_ =	sdelay $0x1  }
0x9a: {  	s5 =	simm.s32 $_scs_section_size  }
0x9b: {  	s6 =	simm.s32 $_size__tile_overlayer_lowered;
	s7 =	simm.s32 $_tile_overlayer_lowered  }
0x9c: {  	s22 =	simm.s32 $0x1BFF;
	s21 =	sshll.u32 s7, $0x1;
	s4 =	sadd.s32 s5, s19  }
0x9d: {  	s8 =	simm.s32 $0x0;
	s20 =	sshll.u32 s6, $0x1;
	s6 =	sadd.s32 s21, s4  }
0x9e: {  	[timem:s8], [sflag:s22] =	dma.local [hbm:s6], s20  }
0x9f: {  	_ =	swait.ge [sflag:s22], s20  }
0xa0: {  	s5 =	ssub.s32 $0x0, s20;
	[sflag:s22] =	ssyncset.done $0x0  }
0xa1: {  	[sflag:s22] =	ssyncadd.s32 s5;
	_ =	sdelay $0x1  }
0xa2: {  	s23 =	simm.s32 $0x1B8B  }
0xa3: {  	_ =	swait.ge [sflag:s23], $0x1  }
0xa4: {  	[sflag:s23] =	ssyncset.done $0x0  }
0xa5: {  	s25 =	simm.s32 $0x1B8E;
	s24 =	sld [smem:$0x3FFE];
	[sflag:s23] =	ssyncadd.s32 $0xFFFFFFFF  }
0xa6: {  	s26 =	simm.s32 $execute0_lowered;
	[smem:$0x3FD2] =	sst s25  }
0xa7: {  	s6 =	sshll.u32 s26, $0x1;
	_ =	strace $0x80000046;
	[dreg:$0x1] =	wrdreg $0xFFFFFFFF  }
0xa8: {  	s28 =	simm.s32 $_size_execute0_lowered;
	s4 =	sadd.s32 s4, s6;
	[dreg:$0x0] =	wrdreg $0x0  }
0xa9: {  	s6 =	sshll.u32 s28, $0x1;
	[dreg:$0x2] =	wrdreg s4  }
0xaa: {  	[dreg:$0x3] =	wrdreg s6  }
0xab: {  	[dreg:$0x4] =	wrdreg $0xC0  }
0xac: {  	_ =	task [dreg:s8], $0x5FFFF  }
0xad: {  	[dreg:$0x1] =	wrdreg $0xFFFFFFFF  }
0xae: {  	[dreg:$0x0] =	wrdreg $0x60  }
0xaf: {  	[dreg:$0x2] =	wrdreg s24  }
0xb0: {  	[dreg:$0x3] =	wrdreg s18  }
0xb1: {  	[dreg:$0x4] =	wrdreg s2  }
0xb2: {  	[dreg:$0x5] =	wrdreg $0x9  }
0xb3: {  	_ =	task.clear_ibuf [dreg:s8], $0x6FFFF;
	_ =	strace $0x90000046  }
0xb4: {  	s29 =	simm.s32 $0x9;
	_ =	strace $0x80000048  }
0xb5: {  	_ =	swait.ge [sflag:s29], $0x1  }
0xb6: {  	[sflag:s29] =	ssyncadd.s32 $0xFFFFFFFF  }
0xb7: {  	_ =	strace $0x90000048  }
0xb8: {  	_ =	sfence  }
0xb9: {  	s30 =	sld [smem:$0x0];
	_ =	sdelay $0x2  }
0xba: {  	s31 =	sshll.u32 s1, $0xD;
	s1 =	sshrl.u32 s1, $0x2  }
0xbb: {  	s3 =	sand.u32 $0x4000, s31;
	s1 =	sadd.s32 s1, s30  }
0xbc: {  	s0 =	sor.u32 s3, s0;
	s1 =	sshll.u32 s1, $0x11  }
0xbd: {  	s0 =	sor.u32 s1, s0  }
0xbe: {  	s0 =	sadd.s32 $0x8F2B, s0  }
0xbf: {  	[sflag:s0] =	ssyncadd.remote.s32 $0x1  }
0xc0: {  	_ =	sfence.sel $0xFFFF  }
0xc1: {  	[dreg:$0x0] =	wrdreg $0xFFFFFFFF;
	(pc) =	sbr.abs _section_cstart, $3  }
0xc2: {  	[dreg:$0x1] =	wrdreg $0xFFFFFFFF  }
0xc3: {  	_ =	task.clear_ibuf [dreg:s8], $0x2FFFF;
	_ =	strace $0x9FFFFFFF  }
0xc4: {  	(tm) =	ssettm $0x7FFFFFFF  }
0xc5: {  	_ =	shalt  }
tec
execute0_lowered:
.L_overlay_start_1:
0x0: {  	(tag) =	ssettag $0x1  }
0x1: {  	s3 =	rddreg [dreg:$0x0];
	s1 =	srdreg.scid  }
0x2: {  	s0 =	stileid.u32;
	s4 =	rddreg [dreg:$0x1]  }
0x3: {  	s6 =	rddreg [dreg:$0x2];
	s2 =	simm.s32 $0x0;
	s11 =	simm.s32 $0x4F00  }
0x4: {  	s12 =	simm.s32 $0x7680;
	s5 =	sand.u32 $0x1, s1;
	s31 =	sshll.u32 s0, $0x1  }
0x5: {  	s13 =	simm.s32 $0x7B00;
	s14 =	simm.s32 $0x0;
	s7 =	sor.u32 s5, s31  }
0x6: {  	s1 =	rddreg [dreg:$0x3];
	s5 =	ssub.s32 $0x2, s5;
	s8 =	smul.u32 $0x4E2, s7  }
0x7: {  	[smem:$0x7FF] =	sst s2;
	s7 =	smul.u32 $0x82, s7;
	s9 =	sshrl.u32 s5, $0x1  }
0x8: {  	_ =	strace $0x80000047;
	s9 =	ssub.s32 s5, s9;
	s10 =	sadd.s32 s8, s3  }
0x9: {  	s7 =	sadd.s32 s7, s3;
	s4 =	sadd.s32 s4, s8;
	s5 =	sadd.s32 s6, s8  }
0xa: {  	s8 =	smax.u32 s9, $0x1;
	s9 =	simm.s32 $0x1;
	s3 =	sadd.s32 $0x1A00, s10  }
0xb: {  	v0 =	vimm.s32 $0x7FFFFFFF;
	v1 =	vimm.s32 $0x0;
	s6 =	sadd.s32 $0xB800, s7;
	s7 =	sadd.s32 $0xCA00, s7;
	s10 =	simm.s32 $0x2780  }
.LBB2_1:
0xc: {  	[tilespmem:s2], [sflag:$0x1] =	stream.linear.gather [hbm4b:s3+s2], $0x2710, $0x38;
	[tilespmem:$0x7F80] =	vst v63  }
0xd: {  	_ =	swait.ge [sflag:s9], $0x2710  }
0xe: {  	[sflag:s9] =	ssyncset.done $0x0  }
0xf: {  	[sflag:s9] =	ssyncadd.s32 $0xFFFFD8F0  }
0x10: {  	[tilespmem:s10], [sflag:$0x1] =	stream.linear.gather [hbm4b:s4+s2], $0x2710, $0x38;
	[tilespmem:$0x7F80] =	vst v63  }
0x11: {  	_ =	swait.ge [sflag:s9], $0x2710  }
0x12: {  	[sflag:s9] =	ssyncset.done $0x0  }
0x13: {  	[sflag:s9] =	ssyncadd.s32 $0xFFFFD8F0  }
0x14: {  	[tilespmem:s11], [sflag:$0x1] =	stream.linear.gather [hbm4b:s5+s2], $0x2710, $0x38;
	[tilespmem:$0x7F80] =	vst v63  }
0x15: {  	_ =	swait.ge [sflag:s9], $0x2710  }
0x16: {  	[sflag:s9] =	ssyncset.done $0x0  }
0x17: {  	s15 =	simm.s32 $0x0;
	[sflag:s9] =	ssyncadd.s32 $0xFFFFD8F0  }
.LBB2_2:
0x18: {  	p0 =	sne.s32 s15, $0x1000  }
.Ltmp0:
0x19: {  	_ = 	snop;
	(pc) =	sbr.rel @p0 .LBB2_2-.Ltmp0, $3  }
0x1a: {  	_ =	sdelay $0x1  }
0x1b: {  	s16 =	sshra.s32 s15, $0x2  }
0x1c: {  	s15 =	sadd.s32 $0x40, s15;
	[tilespmem:s16+$0x7680] =	vst v0  }
0x1d: {  	s17 =	simm.s32 $0x0  }
0x1e: {  	v2 =	vld [tilespmem:s17+$0x2780]  }
0x1f: {  	v3 =	vld [tilespmem:s17+$0x0];
	_ =	sdelay $0x4  }
0x20: {  	v4 =	vxor.u32 v3, v2  }
0x21: {  	vm0 =	vlt.u32 v4, $0x20  }
0x22: {  	v4 =	vsel vm0, $0x1, v1  }
0x23: {  	(xrf0) =	vadd.scan.msk.s32 $0xffff, v4;
	_ =	sdelay $0x3  }
0x24: {  	s15 =	simm.s32 $0x0;
	s16 =	simm.s32 $0x40;
	s18 =	simm.s32 $0x80  }
.LBB2_4:
0x25: {  	p0 =	sne.s32 s18, $0x9C00;
	v4 =	vsel vm0, $0xFFFFFFFF, v1  }
0x26: {  	v4 =	vadd.s32 s15, v4;
	v5, _, _ =	vpop (xrf0)  }
0x27: {  	v4 =	vadd.s32 v5, v4;
	(v2sf) =	vpush v5, $0xF  }
0x28: {  	v4 =	vnsel vm0, $0x40F, v4  }
0x29: {  	v6 =	vshll.u32 v3, $0x7;
	v3 =	vand.u32 $0x60, v3;
	v5 =	vld [tilespmem:s17+$0x4F00]  }
0x2a: {  	v2 =	vand.u32 $0x1F, v2;
	v3 =	vor.u32 v3, v6  }
0x2b: {  	v2 =	vor.u32 v2, v3  }
0x2c: {  	v2 =	vnsel vm0, $0x7FFFFFFF, v2  }
0x2d: {  	[tilespmem:v4+s12+$0x0] =	vst.idx.msk $0xffff, v2  }
0x2e: {  	s17 =	sshra.s32 s16, $0x2;
	s16 =	smov.u32 s18;
	[tilespmem:v4+s13+$0x0] =	vst.idx.msk $0xffff, v5  }
0x2f: {  	v2 =	vld [tilespmem:s17+$0x2780]  }
0x30: {  	v3 =	vld [tilespmem:s17+$0x0];
	_ =	sdelay $0x4  }
0x31: {  	v4 =	vxor.u32 v3, v2  }
0x32: {  	vm0 =	vlt.u32 v4, $0x20;
	s19 =	spop (v2sf)  }
0x33: {  	v4 =	vsel vm0, $0x1, v1;
	s15 =	sadd.s32 s15, s19  }
.Ltmp1:
0x34: {  	(xrf0) =	vadd.scan.msk.s32 $0xffff, v4;
	p1 =	slt.s32 s15, $0x400;
	(pc) =	sbr.rel @p0 .LBB2_4-.Ltmp1, $2  }
0x35: {  	s15 =	simm.s32 @!p1 $0x400;
	_ =	sdelay $0x2  }
0x36: {  	s18 =	sadd.s32 $0x40, s18  }
0x37: {  	v4 =	vsel vm0, $0xFFFFFFFF, v1  }
0x38: {  	v4 =	vadd.s32 s15, v4;
	v5, _, _ =	vpop (xrf0)  }
0x39: {  	v4 =	vadd.s32 v5, v4  }
0x3a: {  	v4 =	vnsel vm0, $0x40F, v4  }
0x3b: {  	v6 =	vld [tilespmem:s17+$0x4F00];
	v7 =	vshll.u32 v3, $0x7;
	v3 =	vand.u32 $0x60, v3  }
0x3c: {  	v2 =	vand.u32 $0x1F, v2;
	v3 =	vor.u32 v3, v7  }
0x3d: {  	v2 =	vor.u32 v2, v3  }
0x3e: {  	v2 =	vnsel vm0, $0x7FFFFFFF, v2  }
0x3f: {  	[tilespmem:v4+s12+$0x0] =	vst.idx.msk $0xffff, v2  }
0x40: {  	s16 =	sshra.s32 s16, $0x2;
	[tilespmem:v4+s13+$0x0] =	vst.idx.msk $0xffff, v6  }
0x41: {  	v2 =	vld [tilespmem:s16+$0x2780]  }
0x42: {  	v3 =	vld [tilespmem:s16+$0x0]  }
0x43: {  	(v2sf) =	vpush v5, $0xF;
	_ =	sdelay $0x3  }
0x44: {  	v60 =	vxor.u32 v3, v2  }
0x45: {  	vm15 =	vlt.u32 v60, $0x20  }
0x46: {  	v4 =	vsel vm15, $0x1, v1  }
0x47: {  	(xrf0) =	vadd.scan.msk.s32 $0xffff, v4;
	_ =	sdelay $0x5  }
0x48: {  	v4, _, _ =	vpop (xrf0)  }
0x49: {  	(v2sf) =	vpush v4, $0xF  }
0x4a: {  	s30 =	spop (v2sf)  }
0x4b: {  	s15 =	sadd.s32 s15, s30  }
0x4c: {  	p0 =	slt.s32 s15, $0x400  }
0x4d: {  	v61 =	vsel vm15, $0xFFFFFFFF, v1;
	s15 =	simm.s32 @!p0 $0x400  }
0x4e: {  	v5 =	vadd.s32 s15, v61  }
0x4f: {  	v4 =	vadd.s32 v4, v5  }
0x50: {  	v4 =	vnsel vm15, $0x40F, v4  }
0x51: {  	v62 =	vld [tilespmem:s16+$0x4F00];
	v63 =	vshll.u32 v3, $0x7;
	v3 =	vand.u32 $0x60, v3  }
0x52: {  	v2 =	vand.u32 $0x1F, v2;
	v3 =	vor.u32 v3, v63  }
0x53: {  	v2 =	vor.u32 v2, v3  }
0x54: {  	v2 =	vnsel vm15, $0x7FFFFFFF, v2  }
0x55: {  	[tilespmem:v4+s12+$0x0] =	vst.idx.msk $0xffff, v2  }
0x56: {  	[tilespmem:v4+s13+$0x0] =	vst.idx.msk $0xffff, v62  }
0x57: {  	[hbm4b:s6+s2] =	stream.linear.scatter [tilespmem:s12], [sflag:$0x1], $0x410, $0x38;
	[tilespmem:$0x7F80] =	vst v63  }
0x58: {  	s31 =	spop (v2sf)  }
0x59: {  	s14 =	sadd.s32 $0x1, s14;
	_ =	swait.ge [sflag:s9], $0x410  }
0x5a: {  	p0 =	sne.s32 s14, s8;
	[sflag:s9] =	ssyncset.done $0x0  }
.Ltmp2:
0x5b: {  	[sflag:s9] =	ssyncadd.s32 $0xFFFFFBF0;
	(pc) =	sbr.rel @p0 .LBB2_1-.Ltmp2, $4  }
0x5c: {  	[hbm4b:s7+s2] =	stream.linear.scatter [tilespmem:s13], [sflag:$0x1], $0x410, $0x38;
	[tilespmem:$0x7F80] =	vst v63  }
0x5d: {  	_ =	swait.ge [sflag:s9], $0x410  }
0x5e: {  	[sflag:s9] =	ssyncset.done $0x0  }
0x5f: {  	[sflag:s9] =	ssyncadd.s32 $0xFFFFFBF0  }
0x60: {  	_ =	sfence.sel $0x180000  }
0x61: {  	[bflag:$0x0] =	sbarrier.arrive $0xFFFF  }
0x62: {  	p0 =	sne.s32 s0, $0x0;
	_ =	strace $0x90000047  }
0x63: {  	s0 =	sadd.s32 @!p0 $0x100000, s1;
	[bflag:$0x2] =	sbarrier.arrive $0xFFFF  }
0x64: {  	[sflag:s0] =	ssyncadd.tile.s32 @!p0 $0x1;
	_ =	shalt  }
.Lfunc_end2:
_tile_overlayer_lowered:
.L_overlay_start_2:
0x65: {  	(tag) =	ssettag $0x2  }
0x66: {  	s0 =	rddreg [dreg:$0x0];
	s2 =	stileid.u32  }
0x67: {  	s1 =	rddreg [dreg:$0x1];
	p0 =	sne.s32 s2, $0x0  }
0x68: {  	s3 =	rddreg [dreg:$0x2];
	[bflag:$0x3] =	sbarrier.arrive $0xFFFF;
	s2 =	simm.s32 @!p0 $0x1C01  }
0x69: {  	[timem:s3], [sflag:s2] =	dma.local @!p0 [hbm:s0], s1  }
0x6a: {  	s0 =	simm.s32 @!p0 $0x1  }
0x6b: {  	_ =	swait.ge @!p0 [sflag:s0], s1  }
0x6c: {  	s1 =	ssub.s32 @!p0 $0x0, s1;
	[sflag:s0] =	ssyncset.done @!p0 $0x0  }
0x6d: {  	[sflag:s0] =	ssyncadd.s32 @!p0 s1  }
0x6e: {  	[bflag:$0x3] =	sbarrier.arrive $0xFFFF  }
0x6f: {  	_ =	shalt  }

// kernel: kernel.8.cloned.1.call-start
scs
__scs_entry_jumppad:
0x0: {  	(pc) =	sbr.rel $0x88, $3  }
0x1: {  	(tag) =	ssettag $0x0;
	lr =	simm.s32 $0x1  }
0x2: {  	[smem:$0x3F98] =	sst lr;
	_ =	strace $0xD0000000  }
0x3: {  	_ = 	snop  }
0x4: {  	_ = 	snop  }
0x5: {  	_ = 	snop  }
0x6: {  	_ = 	snop  }
0x7: {  	_ = 	snop  }
__scs_overlays_trampoline_lowered:
0x8: {  	[smem:$0x3FA7] =	sst s0  }
0x9: {  	[smem:$0x3FA8] =	sst s1  }
0xa: {  	[smem:$0x3FA9] =	sst s2  }
0xb: {  	[smem:$0x3FAA] =	sst s3  }
0xc: {  	[smem:$0x3FAB] =	sst s4  }
0xd: {  	[smem:$0x3FAC] =	sst s5  }
0xe: {  	[smem:$0x3FAD] =	sst s6  }
0xf: {  	[smem:$0x3FAE] =	sst s7  }
0x10: {  	[smem:$0x3FAF] =	sst s8  }
0x11: {  	[smem:$0x3FB0] =	sst s9;
	s0 =	simm.s32 @!p0 $0x0  }
0x12: {  	s1 =	sld [smem:$0x3F96];
	s0 =	simm.s32 @p0 $0x1  }
0x13: {  	[smem:$0x3FB1] =	sst s0;
	s0 =	simm.s32 @!p1 $0x0  }
0x14: {  	s2 =	sld [smem:$0x3F95];
	s0 =	simm.s32 @p1 $0x1  }
0x15: {  	[smem:$0x3FB2] =	sst s0;
	s0 =	simm.s32 @!p2 $0x0  }
0x16: {  	s3 =	sld [smem:$0x3FDB];
	s0 =	simm.s32 @p2 $0x1  }
0x17: {  	s4 =	simm.s32 $0x1BF5;
	[smem:$0x3FB4] =	sst s0  }
0x18: {  	s0 =	sld [smem:$0x3F97];
	_ =	swait.ge [sflag:s4], $0x0  }
0x19: {  	s7 =	sld [smem:$0x3F98]  }
0x1a: {  	s8 =	sadd.s32 $0xFFFFE003, lr  }
0x1b: {  	s9 =	sadd.s32 $0xFFFFFEF7, lr;
	s5 =	simm.s32 $0xFFFFFFFF;
	p2 =	slt.u32 s8, $0xFFFFF086  }
0x1c: {  	p1 =	slt.u32 s9, $0xF7A;
	s5 =	simm.s32 @!p2 $0x0  }
0x1d: {  	s5 =	simm.s32 @p1 $0x1;
	p0 =	seq.s32 s7, s2  }
0x1e: {  	s7 =	smul.u32 @!p0 $0xF7A, s2;
	p2 =	seq.s32 @!p0 s5, $0x0  }
0x1f: {  	s9 =	smul.u32 $0xF7A, s1;
	s8 =	simm.s32 @!p0 $0x1BF5;
	p2 =	por !p2, p0  }
0x20: {  	[sflag:s8] =	ssyncset.s32 @!p0 $0xFFFFF086;
	s6 =	sadd.s32 @!p0 s3, s7;
	s7 =	simm.s32 @!p0 $0x108  }
0x21: {  	s3 =	sadd.s32 s3, s9;
	s6 =	sadd.s32 @!p0 $0x88, s6;
	s7 =	simm.s32 @p2 $0x1082  }
0x22: {  	[simem:s7], [sflag:s8] =	dma.local @!p0 [hbm:s6], $0xF7A  }
0x23: {  	s9 =	sor.u32 $0xD0000000, s2;
	s6 =	simm.s32 $0x108;
	_ =	swait.ge @!p0 [sflag:s8], $0x0  }
0x24: {  	s3 =	sadd.s32 $0x88, s3;
	s6 =	simm.s32 @!p1 $0x1082;
	[sflag:s4] =	ssyncset.s32 $0xFFFFF086  }
0x25: {  	[simem:s6], [sflag:s4] =	dma.local [hbm:s3], $0xF7A  }
0x26: {  	[smem:$0x3F98] =	sst s1;
	(tag) =	ssettag s2;
	_ =	strace s9  }
0x27: {  	s1 =	sld [smem:$0x3FA8]  }
0x28: {  	s2 =	sld [smem:$0x3FA9]  }
0x29: {  	s4 =	sld [smem:$0x3FAB]  }
0x2a: {  	p0 =	seq.s32 s5, $0x0;
	s5 =	sld [smem:$0x3FAC]  }
0x2b: {  	s6 =	sld [smem:$0x3FAD]  }
0x2c: {  	s7 =	sld [smem:$0x3FAE]  }
0x2d: {  	s3 =	simm.s32 $0x108;
	s8 =	sld [smem:$0x3FAF]  }
0x2e: {  	s3 =	simm.s32 @!p0 $0x1082;
	s9 =	sld [smem:$0x3FB0]  }
0x2f: {  	lr =	sadd.s32 s0, s3;
	s0 =	sld [smem:$0x3FA7]  }
0x30: {  	s3 =	sld [smem:$0x3FAA]  }
0x31: {  	[smem:$0x3FB3] =	sst s10  }
0x32: {  	s10 =	sld [smem:$0x3FB1];
	_ =	sdelay $0x3  }
0x33: {  	p0 =	seq.s32 s10, $0x1;
	s10 =	sld [smem:$0x3FB3];
	_ =	sdelay $0x3  }
0x34: {  	[smem:$0x3FB3] =	sst s10  }
0x35: {  	s10 =	sld [smem:$0x3FB2];
	_ =	sdelay $0x3  }
0x36: {  	p1 =	seq.s32 s10, $0x1;
	s10 =	sld [smem:$0x3FB3];
	_ =	sdelay $0x3  }
0x37: {  	[smem:$0x3FB3] =	sst s10  }
0x38: {  	s10 =	sld [smem:$0x3FB4]  }
0x39: {  	_ = 	snop;
	(pc) =	sbr.ind lr, $3  }
0x3a: {  	_ = 	snop  }
0x3b: {  	_ = 	snop  }
0x3c: {  	p2 =	seq.s32 s10, $0x1;
	s10 =	sld [smem:$0x3FB3]  }
0x3d: {  	_ =	shalt  }
0x3e: {  	_ =	shalt  }
0x3f: {  	_ =	shalt  }
0x40: {  	_ =	shalt  }
0x41: {  	_ =	shalt  }
0x42: {  	_ =	shalt  }
0x43: {  	_ =	shalt  }
0x44: {  	_ =	shalt  }
0x45: {  	_ =	shalt  }
0x46: {  	_ =	shalt  }
0x47: {  	_ =	shalt  }
0x48: {  	_ =	shalt  }
0x49: {  	_ =	shalt  }
0x4a: {  	_ =	shalt  }
0x4b: {  	_ =	shalt  }
0x4c: {  	_ =	shalt  }
0x4d: {  	_ =	shalt  }
0x4e: {  	_ =	shalt  }
0x4f: {  	_ =	shalt  }
0x50: {  	_ =	shalt  }
0x51: {  	_ =	shalt  }
0x52: {  	_ =	shalt  }
0x53: {  	_ =	shalt  }
0x54: {  	_ =	shalt  }
0x55: {  	_ =	shalt  }
0x56: {  	_ =	shalt  }
0x57: {  	_ =	shalt  }
0x58: {  	_ =	shalt  }
0x59: {  	_ =	shalt  }
0x5a: {  	_ =	shalt  }
0x5b: {  	_ =	shalt  }
0x5c: {  	_ =	shalt  }
0x5d: {  	_ =	shalt  }
0x5e: {  	_ =	shalt  }
0x5f: {  	_ =	shalt  }
0x60: {  	_ =	shalt  }
0x61: {  	_ =	shalt  }
0x62: {  	_ =	shalt  }
0x63: {  	_ =	shalt  }
0x64: {  	_ =	shalt  }
0x65: {  	_ =	shalt  }
0x66: {  	_ =	shalt  }
0x67: {  	_ =	shalt  }
0x68: {  	_ =	shalt  }
0x69: {  	_ =	shalt  }
0x6a: {  	_ =	shalt  }
0x6b: {  	_ =	shalt  }
0x6c: {  	_ =	shalt  }
0x6d: {  	_ =	shalt  }
0x6e: {  	_ =	shalt  }
0x6f: {  	_ =	shalt  }
0x70: {  	_ =	shalt  }
0x71: {  	_ =	shalt  }
0x72: {  	_ =	shalt  }
0x73: {  	_ =	shalt  }
0x74: {  	_ =	shalt  }
0x75: {  	_ =	shalt  }
0x76: {  	_ =	shalt  }
0x77: {  	_ =	shalt  }
0x78: {  	_ =	shalt  }
0x79: {  	_ =	shalt  }
0x7a: {  	_ =	shalt  }
0x7b: {  	_ =	shalt  }
0x7c: {  	_ =	shalt  }
0x7d: {  	_ =	shalt  }
0x7e: {  	_ =	shalt  }
0x7f: {  	_ =	shalt  }
0x80: {  	_ =	shalt  }
0x81: {  	_ =	shalt  }
0x82: {  	_ =	shalt  }
0x83: {  	_ =	shalt  }
0x84: {  	_ =	shalt  }
0x85: {  	_ =	shalt  }
0x86: {  	_ =	shalt  }
0x87: {  	_ =	shalt  }
.Lfunc_end0:
.L_simem_size_0:
called_computation.1_lowered:
.L_overlay_start_0:
0x88: {  	s2 =	sld [smem:$0x3FD9]  }
0x89: {  	s3 =	sld [smem:$0x3FFE];
	_ =	sdelay $0x1  }
0x8a: {  	s1 =	srdreg.scid  }
0x8b: {  	s0 =	sand.u32 $0x1, s1  }
0x8c: {  	s16 =	sshll.u32 s0, $0xA;
	s2 =	sadd.s32 s3, s2  }
0x8d: {  	s2 =	sadd.s32 s2, s16  }
0x8e: {  	[smem:$0x3FBF] =	sst s2  }
0x8f: {  	_ = 	snop  }
0x90: {  	(tm) =	ssettm $0x1  }
0x91: {  	s17 =	sld [smem:$0x3FFB];
	_ =	sdelay $0x3  }
0x92: {  	_ =	strace s17  }
0x93: {  	s2 =	sld [smem:$0x3FFC];
	_ =	sdelay $0x3  }
0x94: {  	_ =	strace s2  }
0x95: {  	s2 =	sld [smem:$0x3FFD];
	_ =	sdelay $0x3  }
0x96: {  	_ =	strace s2  }
0x97: {  	_ =	strace $0x8FFFFFFF  }
0x98: {  	s18 =	sld [smem:$0x3FDB];
	_ =	sdelay $0x1  }
0x99: {  	s19 =	simm.s32 $_scs_section_size  }
0x9a: {  	s4 =	simm.s32 $_size__tile_overlayer_lowered;
	s5 =	simm.s32 $_tile_overlayer_lowered  }
0x9b: {  	s22 =	simm.s32 $0x1BFF;
	s21 =	sshll.u32 s5, $0x1;
	s2 =	sadd.s32 s19, s18  }
0x9c: {  	s6 =	simm.s32 $0x0;
	s20 =	sshll.u32 s4, $0x1;
	s4 =	sadd.s32 s21, s2  }
0x9d: {  	[timem:s6], [sflag:s22] =	dma.local [hbm:s4], s20  }
0x9e: {  	_ =	swait.ge [sflag:s22], s20  }
0x9f: {  	s3 =	ssub.s32 $0x0, s20;
	[sflag:s22] =	ssyncset.done $0x0  }
0xa0: {  	[sflag:s22] =	ssyncadd.s32 s3;
	_ =	sdelay $0x1  }
0xa1: {  	s23 =	simm.s32 $0x1B8B  }
0xa2: {  	_ =	swait.ge [sflag:s23], $0x1  }
0xa3: {  	[sflag:s23] =	ssyncset.done $0x0  }
0xa4: {  	s25 =	simm.s32 $0x1B8E;
	s24 =	sld [smem:$0x3FFE];
	[sflag:s23] =	ssyncadd.s32 $0xFFFFFFFF  }
0xa5: {  	s26 =	simm.s32 $execute0_lowered;
	[smem:$0x3FD2] =	sst s25  }
0xa6: {  	s4 =	sshll.u32 s26, $0x1;
	_ =	strace $0x80000049;
	[dreg:$0x1] =	wrdreg $0xFFFFFFFF  }
0xa7: {  	s28 =	simm.s32 $_size_execute0_lowered;
	s2 =	sadd.s32 s2, s4;
	[dreg:$0x0] =	wrdreg $0x0  }
0xa8: {  	s4 =	sshll.u32 s28, $0x1;
	[dreg:$0x2] =	wrdreg s2  }
0xa9: {  	[dreg:$0x3] =	wrdreg s4  }
0xaa: {  	[dreg:$0x4] =	wrdreg $0xC0  }
0xab: {  	_ =	task [dreg:s6], $0x5FFFF  }
0xac: {  	[dreg:$0x1] =	wrdreg $0xFFFFFFFF  }
0xad: {  	[dreg:$0x0] =	wrdreg $0x60  }
0xae: {  	[dreg:$0x2] =	wrdreg s24  }
0xaf: {  	[dreg:$0x3] =	wrdreg $0x9  }
0xb0: {  	_ =	task.clear_ibuf [dreg:s6], $0x4FFFF;
	_ =	strace $0x90000049  }
0xb1: {  	s29 =	simm.s32 $0x9;
	_ =	strace $0x8000004B  }
0xb2: {  	_ =	swait.ge [sflag:s29], $0x1  }
0xb3: {  	[sflag:s29] =	ssyncadd.s32 $0xFFFFFFFF  }
0xb4: {  	_ =	strace $0x9000004B  }
0xb5: {  	_ =	sfence  }
0xb6: {  	s30 =	sld [smem:$0x0];
	_ =	sdelay $0x2  }
0xb7: {  	s31 =	sshll.u32 s1, $0xD;
	s1 =	sshrl.u32 s1, $0x2  }
0xb8: {  	s3 =	sand.u32 $0x4000, s31;
	s1 =	sadd.s32 s1, s30  }
0xb9: {  	s0 =	sor.u32 s3, s0;
	s1 =	sshll.u32 s1, $0x11  }
0xba: {  	s0 =	sor.u32 s1, s0  }
0xbb: {  	s0 =	sadd.s32 $0x8F2B, s0  }
0xbc: {  	[sflag:s0] =	ssyncadd.remote.s32 $0x1  }
0xbd: {  	_ =	sfence.sel $0xFFFF  }
0xbe: {  	[dreg:$0x0] =	wrdreg $0xFFFFFFFF;
	(pc) =	sbr.abs _section_cstart, $3  }
0xbf: {  	[dreg:$0x1] =	wrdreg $0xFFFFFFFF  }
0xc0: {  	_ =	task.clear_ibuf [dreg:s6], $0x2FFFF;
	_ =	strace $0x9FFFFFFF  }
0xc1: {  	(tm) =	ssettm $0x7FFFFFFF  }
tec
execute0_lowered:
.L_overlay_start_1:
0x0: {  	(tag) =	ssettag $0x1  }
0x1: {  	s1 =	srdreg.scid  }
0x2: {  	s0 =	stileid.u32;
	s5 =	rddreg [dreg:$0x0]  }
0x3: {  	s2 =	simm.s32 $0x0;
	s3 =	sand.u32 $0x1, s1;
	s4 =	sshll.u32 s0, $0x1  }
0x4: {  	s10 =	simm.s32 $0x0;
	s1 =	rddreg [dreg:$0x1];
	s4 =	sor.u32 s3, s4  }
0x5: {  	[smem:$0x7FF] =	sst s2;
	s6 =	ssub.s32 $0x2, s3;
	s8 =	smul.u32 $0xA000, s4  }
0x6: {  	_ =	strace $0x8000004A;
	s3 =	sadd.s32 $0xB800, s5;
	s9 =	sshrl.u32 s6, $0x1  }
0x7: {  	s4 =	sadd.s32 $0xCA00, s5;
	s6 =	ssub.s32 s6, s9;
	s7 =	sshrl.u32 s8, $0x3  }
0x8: {  	s9 =	simm.s32 $0x10400;
	s6 =	smax.u32 s6, $0x1;
	s5 =	sadd.s32 s7, s5  }
0x9: {  	v1 =	vimm.f32 $NaN;
	v0 =	vmov s8;
	s8 =	simm.s32 $0x8200;
	s7 =	simm.s32 $0x1;
	s5 =	sadd.s32 $0xDC00, s5  }
.LBB2_1:
0xa: {  	[tilespmem:s2], [sflag:$0x1] =	stream.linear.gather [hbm4b:s3+s2], $0x8200, $0x38;
	[tilespmem:$0x1A480] =	vst v63  }
0xb: {  	_ =	swait.ge [sflag:s7], $0x8200  }
0xc: {  	[sflag:s7] =	ssyncset.done $0x0  }
0xd: {  	[sflag:s7] =	ssyncadd.s32 $0xFFFF7E00  }
0xe: {  	[tilespmem:s8], [sflag:$0x1] =	stream.linear.gather [hbm4b:s4+s2], $0x8200, $0x38;
	[tilespmem:$0x1A480] =	vst v63  }
0xf: {  	_ =	swait.ge [sflag:s7], $0x8200  }
0x10: {  	[sflag:s7] =	ssyncset.done $0x0  }
0x11: {  	s12 =	simm.s32 $0x100;
	s11 =	simm.s32 $0x0;
	[sflag:s7] =	ssyncadd.s32 $0xFFFF7E00  }
.LBB2_2:
0x12: {  	p0 =	sne.s32 s12, $0x27F00;
	[tilespmem:s11+$0x10430] =	vst v1;
	s13 =	smov.u32 s12;
	s12 =	sadd.s32 $0x100, s12  }
.Ltmp0:
0x13: {  	[tilespmem:s11+$0x10420] =	vst v1;
	(pc) =	sbr.rel @p0 .LBB2_2-.Ltmp0, $3  }
0x14: {  	[tilespmem:s11+$0x10400] =	vst v1  }
0x15: {  	[tilespmem:s11+$0x10410] =	vst v1;
	_ =	sdelay $0x1  }
0x16: {  	s11 =	sshra.s32 s13, $0x2  }
0x17: {  	[tilespmem:s11+$0x10430] =	vst v1  }
0x18: {  	[tilespmem:s11+$0x10420] =	vst v1  }
0x19: {  	[tilespmem:s11+$0x10400] =	vst v1  }
0x1a: {  	[tilespmem:s11+$0x10410] =	vst v1  }
0x1b: {  	s11 =	simm.s32 $0x0;
	[tilespmem:$0x1A400] =	vst v1  }
.LBB2_4:
0x1c: {  	s12 =	sshra.s32 s11, $0x2  }
0x1d: {  	v2 =	vld [tilespmem:s12+$0x0];
	_ =	sdelay $0x4  }
0x1e: {  	v3 =	vsub.s32 v2, v0  }
0x1f: {  	vm0 =	vlt.s32 v3, $0xA000  }
0x20: {  	vm1 =	vlt.s32 v2, v0;
	v2 =	vnsel vm0, $0xA000, v3  }
0x21: {  	v3 =	vld [tilespmem:s12+$0x8200];
	v2 =	vsel vm1, $0xA000, v2;
	_ =	sdelay $0x4  }
0x22: {  	[tilespmem:v2+s9+$0x0] =	vst.idx.msk $0xffff, v3  }
0x23: {  	v2 =	vld [tilespmem:s12+$0x10];
	_ =	sdelay $0x4  }
0x24: {  	v3 =	vsub.s32 v2, v0  }
0x25: {  	vm10 =	vlt.s32 v3, $0xA000  }
0x26: {  	vm11 =	vlt.s32 v2, v0;
	v2 =	vnsel vm10, $0xA000, v3  }
0x27: {  	v3 =	vld [tilespmem:s12+$0x8210];
	v2 =	vsel vm11, $0xA000, v2;
	_ =	sdelay $0x4  }
0x28: {  	[tilespmem:v2+s9+$0x0] =	vst.idx.msk $0xffff, v3  }
0x29: {  	v2 =	vld [tilespmem:s12+$0x20];
	_ =	sdelay $0x4  }
0x2a: {  	v3 =	vsub.s32 v2, v0  }
0x2b: {  	vm12 =	vlt.s32 v3, $0xA000  }
0x2c: {  	vm13 =	vlt.s32 v2, v0;
	v2 =	vnsel vm12, $0xA000, v3  }
0x2d: {  	v3 =	vld [tilespmem:s12+$0x8220];
	v2 =	vsel vm13, $0xA000, v2;
	_ =	sdelay $0x4  }
0x2e: {  	[tilespmem:v2+s9+$0x0] =	vst.idx.msk $0xffff, v3  }
0x2f: {  	v2 =	vld [tilespmem:s12+$0x30];
	_ =	sdelay $0x4  }
0x30: {  	v3 =	vsub.s32 v2, v0  }
0x31: {  	vm14 =	vlt.s32 v3, $0xA000  }
0x32: {  	vm15 =	vlt.s32 v2, v0;
	v2 =	vnsel vm14, $0xA000, v3  }
0x33: {  	p0 =	sne.s32 s11, $0x20700;
	v3 =	vld [tilespmem:s12+$0x8230];
	v2 =	vsel vm15, $0xA000, v2  }
.Ltmp1:
0x34: {  	_ = 	snop;
	(pc) =	sbr.rel @p0 .LBB2_4-.Ltmp1, $2  }
0x35: {  	_ =	sdelay $0x2  }
0x36: {  	s11 =	sadd.s32 $0x100, s11;
	[tilespmem:v2+s9+$0x0] =	vst.idx.msk $0xffff, v3  }
0x37: {  	s10 =	sadd.s32 $0x1, s10  }
0x38: {  	p0 =	sne.s32 s10, s6  }
.Ltmp2:
0x39: {  	_ = 	snop;
	(pc) =	sbr.rel @p0 .LBB2_1-.Ltmp2, $4  }
0x3a: {  	[hbm4b:s5+s2] =	stream.linear.scatter [tilespmem:s9], [sflag:$0x1], $0xA000, $0x38;
	[tilespmem:$0x1A480] =	vst v63  }
0x3b: {  	_ =	swait.ge [sflag:s7], $0xA000  }
0x3c: {  	[sflag:s7] =	ssyncset.done $0x0  }
0x3d: {  	[sflag:s7] =	ssyncadd.s32 $0xFFFF6000  }
0x3e: {  	_ =	sfence.sel $0x180000  }
0x3f: {  	[bflag:$0x0] =	sbarrier.arrive $0xFFFF  }
0x40: {  	p0 =	sne.s32 s0, $0x0;
	_ =	strace $0x9000004A  }
0x41: {  	s0 =	sadd.s32 @!p0 $0x100000, s1;
	[bflag:$0x2] =	sbarrier.arrive $0xFFFF  }
0x42: {  	[sflag:s0] =	ssyncadd.tile.s32 @!p0 $0x1;
	_ =	shalt  }
.Lfunc_end2:
_tile_overlayer_lowered:
.L_overlay_start_2:
0x43: {  	(tag) =	ssettag $0x2  }
0x44: {  	s0 =	rddreg [dreg:$0x0];
	s2 =	stileid.u32  }
0x45: {  	s1 =	rddreg [dreg:$0x1];
	p0 =	sne.s32 s2, $0x0  }
0x46: {  	s3 =	rddreg [dreg:$0x2];
	[bflag:$0x3] =	sbarrier.arrive $0xFFFF;
	s2 =	simm.s32 @!p0 $0x1C01  }
0x47: {  	[timem:s3], [sflag:s2] =	dma.local @!p0 [hbm:s0], s1  }
0x48: {  	s0 =	simm.s32 @!p0 $0x1  }
0x49: {  	_ =	swait.ge @!p0 [sflag:s0], s1  }
0x4a: {  	s1 =	ssub.s32 @!p0 $0x0, s1;
	[sflag:s0] =	ssyncset.done @!p0 $0x0  }
0x4b: {  	[sflag:s0] =	ssyncadd.s32 @!p0 s1  }
0x4c: {  	[bflag:$0x3] =	sbarrier.arrive $0xFFFF  }
0x4d: {  	_ =	shalt  }

</sc_bundles>
